<compile_context>
chip_gen: v7x
topology: tpu7x:2x2x1
jax: 0.10.2.dev20260603
libtpu: 0.0.44.dev20260713+nightly
codegen_flags: <defaults>
</compile_context>

<pallas_src>
import functools

import jax
import jax.numpy as jnp
from jax import lax
from jax.experimental import pallas as pl
from jax.experimental.pallas import tpu as pltpu
from jax.experimental.pallas import tpu_sc as plsc

B = 4096
S = 200
EMBED = 64
CHUNK = 128
TOTAL = B * S
NUM_CHUNKS = TOTAL // CHUNK
POS_ROWS = 320
RING = 4

_info = plsc.get_sparse_core_info()
NC, NS = _info.num_cores, _info.num_subcores
NW = NC * NS
CHUNKS_PER_W = NUM_CHUNKS // NW


def _body(table_hbm, x_hbm, pos_hbm, out_hbm, pos_v, idx_v, rows_v, st_v,
          *sems):
    gsem = sems[:RING]
    ssem = sems[RING:]
    wid = lax.axis_index("s") * NC + lax.axis_index("c")
    c_base = wid * CHUNKS_PER_W
    pltpu.sync_copy(pos_hbm.at[pl.ds(0, S)], pos_v.at[pl.ds(0, S)])
    pltpu.sync_copy(pos_hbm.at[pl.ds(0, POS_ROWS - S)], pos_v.at[pl.ds(S, POS_ROWS - S)])
    pltpu.sync_copy(x_hbm.at[pl.ds(c_base, CHUNKS_PER_W)], idx_v)

    def start_gather(t, slot):
        tw = lax.rem(t, CHUNKS_PER_W)
        pltpu.async_copy(
            table_hbm.at[idx_v.at[tw]], rows_v.at[slot], gsem[slot])

    def wait_gather(slot):
        pltpu.make_async_copy(
            table_hbm.at[idx_v.at[0]], rows_v.at[slot], gsem[slot]).wait()

    def start_store(t, slot):
        pltpu.async_copy(
            st_v.at[slot],
            out_hbm.at[pl.ds((c_base + t) * CHUNK, CHUNK), pl.ds(0, EMBED)],
            ssem[slot])

    def wait_store(slot):
        pltpu.make_async_copy(
            st_v.at[slot],
            out_hbm.at[pl.ds(0, CHUNK), pl.ds(0, EMBED)], ssem[slot]).wait()

    for p in range(RING - 1):
        start_gather(p, p)

    def ring_body(i, carry):
        for b in range(RING):
            t = i * RING + b
            wait_gather(b)
            p0 = lax.rem((c_base + t) * CHUNK, S)

            @pl.when(i > 0)
            def _():
                wait_store(b)

            @plsc.parallel_loop(0, CHUNK, unroll=8)
            def _(r):
                for j in range(EMBED // 16):
                    sl = pl.ds(j * 16, 16)
                    st_v[b, r, sl] = rows_v[b, r, sl] + pos_v[p0 + r, sl]

            start_gather(t + RING - 1, (b + RING - 1) % RING)
            start_store(t, b)
        return carry

    lax.fori_loop(0, CHUNKS_PER_W // RING, ring_body, 0)
    for b in range(RING):
        wait_store(b)
    for p in range(RING - 1):
        wait_gather((CHUNKS_PER_W + p) % RING)


@jax.jit
def _run(x2, token_table, pos_table):
    mesh = plsc.VectorSubcoreMesh(core_axis_name="c", subcore_axis_name="s")
    k = functools.partial(
        pl.kernel,
        out_type=jax.ShapeDtypeStruct((TOTAL, 128), jnp.float32),
        mesh=mesh,
        scratch_types=[
            pltpu.VMEM((POS_ROWS, EMBED), jnp.float32),
            pltpu.VMEM((CHUNKS_PER_W, CHUNK), jnp.int32),
            pltpu.VMEM((RING, CHUNK, EMBED), jnp.float32),
            pltpu.VMEM((RING, CHUNK, EMBED), jnp.float32),
        ] + [pltpu.SemaphoreType.DMA] * (2 * RING),
        compiler_params=pltpu.CompilerParams(use_tc_tiling_on_sc=False),
    )(_body)
    out_pad = k(token_table, x2, pos_table)
    return out_pad.reshape(B, S, 128)[:, :, :EMBED]


def kernel(x, token_table, pos_table):
    x2 = x.reshape(TOTAL // 128, 128).astype(jnp.int32)
    return _run(x2, token_table, pos_table)

# --- scband reference (transcript-rebuilt; emitter-appended) ---
"""Pipeline reference for scband-token-and-position-embedding-712964571331 (READ-ONLY COPY).

The authoritative reference and input builder live on the scoring server;
editing this copy changes nothing except your own understanding.
"""

import jax, jax.numpy as jnp
import numpy as np

VOCAB = 100000
MAXLEN = 256
EMBED = 64
B = 4096
S = 200


def setup_inputs(seed: int = 0) -> dict:
    key = jax.random.key(seed)
    k1, k2, k3 = jax.random.split(key, 3)
    x = jax.random.randint(k1, (B, S), 0, VOCAB, dtype=jnp.int64 if jax.config.jax_enable_x64 else jnp.int32)
    token_table = jax.random.normal(k2, (VOCAB, EMBED), dtype=jnp.float32) * 0.02
    pos_table = jax.random.normal(k3, (MAXLEN, EMBED), dtype=jnp.float32) * 0.02
    return {"x": x, "token_table": token_table, "pos_table": pos_table}


def reference(x, token_table, pos_table):
    seq_len = x.shape[1]
    positions = jnp.arange(0, seq_len)[None, :]
    position_embedding = jnp.take(pos_table, positions, axis=0)
    token_embedding = jnp.take(token_table, x, axis=0)
    return token_embedding + position_embedding

if __name__ == "__main__":
    import jax
    _d = setup_inputs()
    print(jax.jit(kernel)(*tuple(_d.values())))

</pallas_src>

<mosaic_0001>
#map = affine_map<(d0, d1) -> (0, 0)>
module attributes {stable_mosaic.version = 14 : i64} {
  func.func @_body(%arg0: i32, %arg1: i32, %arg2: memref<100000x64xf32, #tpu.memory_space<hbm>>, %arg3: memref<6400x128xi32, #tpu.memory_space<hbm>>, %arg4: memref<256x64xf32, #tpu.memory_space<hbm>>, %arg5: memref<819200x128xf32, #tpu.memory_space<hbm>>, %arg6: memref<320x64xf32, #tpu.memory_space<vmem>>, %arg7: memref<200x128xi32, #tpu.memory_space<vmem>>, %arg8: memref<4x128x64xf32, #tpu.memory_space<vmem>>, %arg9: memref<4x128x64xf32, #tpu.memory_space<vmem>>, %arg10: memref<!tpu.dma_semaphore, #tpu.memory_space<semaphore_mem>>, %arg11: memref<!tpu.dma_semaphore, #tpu.memory_space<semaphore_mem>>, %arg12: memref<!tpu.dma_semaphore, #tpu.memory_space<semaphore_mem>>, %arg13: memref<!tpu.dma_semaphore, #tpu.memory_space<semaphore_mem>>, %arg14: memref<!tpu.dma_semaphore, #tpu.memory_space<semaphore_mem>>, %arg15: memref<!tpu.dma_semaphore, #tpu.memory_space<semaphore_mem>>, %arg16: memref<!tpu.dma_semaphore, #tpu.memory_space<semaphore_mem>>, %arg17: memref<!tpu.dma_semaphore, #tpu.memory_space<semaphore_mem>>) attributes {dimension_semantics = [#tpu.dimension_semantics<core_parallel>, #tpu.dimension_semantics<subcore_parallel>], iteration_bounds = array<i64: 2, 16>, scalar_prefetch = 0 : i64, scratch_operands = 12 : i64, tpu.core_type = #tpu.core_type<sc_vector_subcore>, window_params = [{transform_indices = #map}, {transform_indices = #map}, {transform_indices = #map}, {transform_indices = #map}]} {
    %mul3A = arith.constant 2 : i32
    %mul3A_0 = arith.muli %arg1, %mul3A : i32
    %add3A = arith.addi %mul3A_0, %arg0 : i32
    %mul3A_1 = arith.constant 200 : i32
    %mul3A_2 = arith.muli %add3A, %mul3A_1 : i32
    "tpu.region"() ({
      %run_scoped3A = tpu.sem_alloc : memref<!tpu.dma_semaphore, #tpu.memory_space<semaphore_mem>>
      %dma_start3A_143 = arith.constant 0 : i32
      %dma_start3A_144 = arith.constant 0 : i32
      %dma_start3A_145 = tpu.memref_slice %arg6[%dma_start3A_143, %dma_start3A_144] : memref<320x64xf32, #tpu.memory_space<vmem>> -> memref<200x64xf32, #tpu.memory_space<vmem>>
      %dma_start3A_146 = arith.constant 0 : i32
      %dma_start3A_147 = arith.constant 0 : i32
      %dma_start3A_148 = tpu.memref_slice %arg4[%dma_start3A_146, %dma_start3A_147] : memref<256x64xf32, #tpu.memory_space<hbm>> -> memref<200x64xf32, #tpu.memory_space<hbm>>
      %dma_start3A_149 = arith.constant 0 : i32
      %dma_start3A_150 = arith.constant 0 : i32
      %dma_start3A_151 = tpu.memref_slice %arg6[%dma_start3A_149, %dma_start3A_150] : memref<320x64xf32, #tpu.memory_space<vmem>> -> memref<200x64xf32, #tpu.memory_space<vmem>>
      %dma_start3A_152 = arith.constant 0 : i32
      %dma_start3A_153 = arith.constant 0 : i32
      %dma_start3A_154 = tpu.memref_slice %arg4[%dma_start3A_152, %dma_start3A_153] : memref<256x64xf32, #tpu.memory_space<hbm>> -> memref<200x64xf32, #tpu.memory_space<hbm>>
      tpu.enqueue_dma source(%dma_start3A_154 : memref<200x64xf32, #tpu.memory_space<hbm>>) target(%dma_start3A_151 : memref<200x64xf32, #tpu.memory_space<vmem>>) target_semaphore(%run_scoped3A : memref<!tpu.dma_semaphore, #tpu.memory_space<semaphore_mem>>)
      %dma_wait3A_155 = arith.constant 0 : i32
      %dma_wait3A_156 = arith.constant 0 : i32
      %dma_wait3A_157 = tpu.memref_slice %arg6[%dma_wait3A_155, %dma_wait3A_156] : memref<320x64xf32, #tpu.memory_space<vmem>> -> memref<200x64xf32, #tpu.memory_space<vmem>>
      %dma_wait3A_158 = arith.constant 0 : i32
      %dma_wait3A_159 = arith.constant 0 : i32
      %dma_wait3A_160 = tpu.memref_slice %arg4[%dma_wait3A_158, %dma_wait3A_159] : memref<256x64xf32, #tpu.memory_space<hbm>> -> memref<200x64xf32, #tpu.memory_space<hbm>>
      %dma_wait3A_161 = arith.constant 0 : i32
      %dma_wait3A_162 = arith.constant 0 : i32
      %dma_wait3A_163 = tpu.memref_slice %arg6[%dma_wait3A_161, %dma_wait3A_162] : memref<320x64xf32, #tpu.memory_space<vmem>> -> memref<200x64xf32, #tpu.memory_space<vmem>>
      %dma_wait3A_164 = arith.constant 0 : i32
      %dma_wait3A_165 = arith.constant 0 : i32
      %dma_wait3A_166 = tpu.memref_slice %arg4[%dma_wait3A_164, %dma_wait3A_165] : memref<256x64xf32, #tpu.memory_space<hbm>> -> memref<200x64xf32, #tpu.memory_space<hbm>>
      tpu.wait_dma2 semaphore(%run_scoped3A : memref<!tpu.dma_semaphore, #tpu.memory_space<semaphore_mem>>) src(%dma_wait3A_166 : memref<200x64xf32, #tpu.memory_space<hbm>>) dst(%dma_wait3A_163 : memref<200x64xf32, #tpu.memory_space<vmem>>)
      tpu.yield
    }) : () -> ()
    "tpu.region"() ({
      %run_scoped3A = tpu.sem_alloc : memref<!tpu.dma_semaphore, #tpu.memory_space<semaphore_mem>>
      %dma_start3A_143 = arith.constant 200 : i32
      %dma_start3A_144 = arith.constant 0 : i32
      %dma_start3A_145 = tpu.memref_slice %arg6[%dma_start3A_143, %dma_start3A_144] : memref<320x64xf32, #tpu.memory_space<vmem>> -> memref<120x64xf32, #tpu.memory_space<vmem>>
      %dma_start3A_146 = arith.constant 0 : i32
      %dma_start3A_147 = arith.constant 0 : i32
      %dma_start3A_148 = tpu.memref_slice %arg4[%dma_start3A_146, %dma_start3A_147] : memref<256x64xf32, #tpu.memory_space<hbm>> -> memref<120x64xf32, #tpu.memory_space<hbm>>
      %dma_start3A_149 = arith.constant 200 : i32
      %dma_start3A_150 = arith.constant 0 : i32
      %dma_start3A_151 = tpu.memref_slice %arg6[%dma_start3A_149, %dma_start3A_150] : memref<320x64xf32, #tpu.memory_space<vmem>> -> memref<120x64xf32, #tpu.memory_space<vmem>>
      %dma_start3A_152 = arith.constant 0 : i32
      %dma_start3A_153 = arith.constant 0 : i32
      %dma_start3A_154 = tpu.memref_slice %arg4[%dma_start3A_152, %dma_start3A_153] : memref<256x64xf32, #tpu.memory_space<hbm>> -> memref<120x64xf32, #tpu.memory_space<hbm>>
      tpu.enqueue_dma source(%dma_start3A_154 : memref<120x64xf32, #tpu.memory_space<hbm>>) target(%dma_start3A_151 : memref<120x64xf32, #tpu.memory_space<vmem>>) target_semaphore(%run_scoped3A : memref<!tpu.dma_semaphore, #tpu.memory_space<semaphore_mem>>)
      %dma_wait3A_155 = arith.constant 200 : i32
      %dma_wait3A_156 = arith.constant 0 : i32
      %dma_wait3A_157 = tpu.memref_slice %arg6[%dma_wait3A_155, %dma_wait3A_156] : memref<320x64xf32, #tpu.memory_space<vmem>> -> memref<120x64xf32, #tpu.memory_space<vmem>>
      %dma_wait3A_158 = arith.constant 0 : i32
      %dma_wait3A_159 = arith.constant 0 : i32
      %dma_wait3A_160 = tpu.memref_slice %arg4[%dma_wait3A_158, %dma_wait3A_159] : memref<256x64xf32, #tpu.memory_space<hbm>> -> memref<120x64xf32, #tpu.memory_space<hbm>>
      %dma_wait3A_161 = arith.constant 200 : i32
      %dma_wait3A_162 = arith.constant 0 : i32
      %dma_wait3A_163 = tpu.memref_slice %arg6[%dma_wait3A_161, %dma_wait3A_162] : memref<320x64xf32, #tpu.memory_space<vmem>> -> memref<120x64xf32, #tpu.memory_space<vmem>>
      %dma_wait3A_164 = arith.constant 0 : i32
      %dma_wait3A_165 = arith.constant 0 : i32
      %dma_wait3A_166 = tpu.memref_slice %arg4[%dma_wait3A_164, %dma_wait3A_165] : memref<256x64xf32, #tpu.memory_space<hbm>> -> memref<120x64xf32, #tpu.memory_space<hbm>>
      tpu.wait_dma2 semaphore(%run_scoped3A : memref<!tpu.dma_semaphore, #tpu.memory_space<semaphore_mem>>) src(%dma_wait3A_166 : memref<120x64xf32, #tpu.memory_space<hbm>>) dst(%dma_wait3A_163 : memref<120x64xf32, #tpu.memory_space<vmem>>)
      tpu.yield
    }) : () -> ()
    "tpu.region"() ({
      %run_scoped3A = tpu.sem_alloc : memref<!tpu.dma_semaphore, #tpu.memory_space<semaphore_mem>>
      %dma_start3A_143 = arith.constant 0 : i32
      %dma_start3A_144 = tpu.memref_slice %arg3[%mul3A_2, %dma_start3A_143] : memref<6400x128xi32, #tpu.memory_space<hbm>> -> memref<200x128xi32, #tpu.memory_space<hbm>>
      %dma_start3A_145 = arith.constant 0 : i32
      %dma_start3A_146 = tpu.memref_slice %arg3[%mul3A_2, %dma_start3A_145] : memref<6400x128xi32, #tpu.memory_space<hbm>> -> memref<200x128xi32, #tpu.memory_space<hbm>>
      tpu.enqueue_dma source(%dma_start3A_146 : memref<200x128xi32, #tpu.memory_space<hbm>>) target(%arg7 : memref<200x128xi32, #tpu.memory_space<vmem>>) target_semaphore(%run_scoped3A : memref<!tpu.dma_semaphore, #tpu.memory_space<semaphore_mem>>)
      %dma_wait3A_147 = arith.constant 0 : i32
      %dma_wait3A_148 = tpu.memref_slice %arg3[%mul3A_2, %dma_wait3A_147] : memref<6400x128xi32, #tpu.memory_space<hbm>> -> memref<200x128xi32, #tpu.memory_space<hbm>>
      %dma_wait3A_149 = arith.constant 0 : i32
      %dma_wait3A_150 = tpu.memref_slice %arg3[%mul3A_2, %dma_wait3A_149] : memref<6400x128xi32, #tpu.memory_space<hbm>> -> memref<200x128xi32, #tpu.memory_space<hbm>>
      tpu.wait_dma2 semaphore(%run_scoped3A : memref<!tpu.dma_semaphore, #tpu.memory_space<semaphore_mem>>) src(%dma_wait3A_150 : memref<200x128xi32, #tpu.memory_space<hbm>>) dst(%arg7 : memref<200x128xi32, #tpu.memory_space<vmem>>)
      tpu.yield
    }) : () -> ()
    %rem3A = arith.constant 0 : i32
    %rem3A_3 = arith.constant 200 : i32
    %rem3A_4 = arith.remsi %rem3A, %rem3A_3 : i32
    %dma_start3A = arith.constant 0 : i32
    %dma_start3A_5 = arith.constant 0 : i32
    %dma_start3A_6 = arith.constant 0 : i32
    %dma_start3A_7 = tpu.memref_slice %arg8[%dma_start3A, %dma_start3A_5, %dma_start3A_6] : memref<4x128x64xf32, #tpu.memory_space<vmem>> -> memref<1x128x64xf32, #tpu.memory_space<vmem>>
    %dma_start3A_8 = tpu.memref_squeeze %dma_start3A_7 : memref<1x128x64xf32, #tpu.memory_space<vmem>> -> memref<128x64xf32, #tpu.memory_space<vmem>>
    %dma_start3A_9 = arith.constant 0 : i32
    %dma_start3A_10 = tpu.memref_slice %arg7[%rem3A_4, %dma_start3A_9] : memref<200x128xi32, #tpu.memory_space<vmem>> -> memref<1x128xi32, #tpu.memory_space<vmem>>
    %dma_start3A_11 = tpu.memref_squeeze %dma_start3A_10 : memref<1x128xi32, #tpu.memory_space<vmem>> -> memref<128xi32, #tpu.memory_space<vmem>>
    %dma_start3A_12 = arith.constant 0 : i32
    %dma_start3A_13 = arith.constant 0 : i32
    %dma_start3A_14 = tpu.memref_slice %arg2[%dma_start3A_12, %dma_start3A_13] : memref<100000x64xf32, #tpu.memory_space<hbm>> -> memref<100000x64xf32, #tpu.memory_space<hbm>>
    tpu.enqueue_indirect_dma source(%dma_start3A_14 : memref<100000x64xf32, #tpu.memory_space<hbm>>) target(%dma_start3A_8 : memref<128x64xf32, #tpu.memory_space<vmem>>) offsets(%dma_start3A_11 : memref<128xi32, #tpu.memory_space<vmem>>) semaphore(%arg10 : memref<!tpu.dma_semaphore, #tpu.memory_space<semaphore_mem>>)
    %rem3A_15 = arith.constant 1 : i32
    %rem3A_16 = arith.constant 200 : i32
    %rem3A_17 = arith.remsi %rem3A_15, %rem3A_16 : i32
    %dma_start3A_18 = arith.constant 1 : i32
    %dma_start3A_19 = arith.constant 0 : i32
    %dma_start3A_20 = arith.constant 0 : i32
    %dma_start3A_21 = tpu.memref_slice %arg8[%dma_start3A_18, %dma_start3A_19, %dma_start3A_20] : memref<4x128x64xf32, #tpu.memory_space<vmem>> -> memref<1x128x64xf32, #tpu.memory_space<vmem>>
    %dma_start3A_22 = tpu.memref_squeeze %dma_start3A_21 : memref<1x128x64xf32, #tpu.memory_space<vmem>> -> memref<128x64xf32, #tpu.memory_space<vmem>>
    %dma_start3A_23 = arith.constant 0 : i32
    %dma_start3A_24 = tpu.memref_slice %arg7[%rem3A_17, %dma_start3A_23] : memref<200x128xi32, #tpu.memory_space<vmem>> -> memref<1x128xi32, #tpu.memory_space<vmem>>
    %dma_start3A_25 = tpu.memref_squeeze %dma_start3A_24 : memref<1x128xi32, #tpu.memory_space<vmem>> -> memref<128xi32, #tpu.memory_space<vmem>>
    %dma_start3A_26 = arith.constant 0 : i32
    %dma_start3A_27 = arith.constant 0 : i32
    %dma_start3A_28 = tpu.memref_slice %arg2[%dma_start3A_26, %dma_start3A_27] : memref<100000x64xf32, #tpu.memory_space<hbm>> -> memref<100000x64xf32, #tpu.memory_space<hbm>>
    tpu.enqueue_indirect_dma source(%dma_start3A_28 : memref<100000x64xf32, #tpu.memory_space<hbm>>) target(%dma_start3A_22 : memref<128x64xf32, #tpu.memory_space<vmem>>) offsets(%dma_start3A_25 : memref<128xi32, #tpu.memory_space<vmem>>) semaphore(%arg11 : memref<!tpu.dma_semaphore, #tpu.memory_space<semaphore_mem>>)
    %rem3A_29 = arith.constant 2 : i32
    %rem3A_30 = arith.constant 200 : i32
    %rem3A_31 = arith.remsi %rem3A_29, %rem3A_30 : i32
    %dma_start3A_32 = arith.constant 2 : i32
    %dma_start3A_33 = arith.constant 0 : i32
    %dma_start3A_34 = arith.constant 0 : i32
    %dma_start3A_35 = tpu.memref_slice %arg8[%dma_start3A_32, %dma_start3A_33, %dma_start3A_34] : memref<4x128x64xf32, #tpu.memory_space<vmem>> -> memref<1x128x64xf32, #tpu.memory_space<vmem>>
    %dma_start3A_36 = tpu.memref_squeeze %dma_start3A_35 : memref<1x128x64xf32, #tpu.memory_space<vmem>> -> memref<128x64xf32, #tpu.memory_space<vmem>>
    %dma_start3A_37 = arith.constant 0 : i32
    %dma_start3A_38 = tpu.memref_slice %arg7[%rem3A_31, %dma_start3A_37] : memref<200x128xi32, #tpu.memory_space<vmem>> -> memref<1x128xi32, #tpu.memory_space<vmem>>
    %dma_start3A_39 = tpu.memref_squeeze %dma_start3A_38 : memref<1x128xi32, #tpu.memory_space<vmem>> -> memref<128xi32, #tpu.memory_space<vmem>>
    %dma_start3A_40 = arith.constant 0 : i32
    %dma_start3A_41 = arith.constant 0 : i32
    %dma_start3A_42 = tpu.memref_slice %arg2[%dma_start3A_40, %dma_start3A_41] : memref<100000x64xf32, #tpu.memory_space<hbm>> -> memref<100000x64xf32, #tpu.memory_space<hbm>>
    tpu.enqueue_indirect_dma source(%dma_start3A_42 : memref<100000x64xf32, #tpu.memory_space<hbm>>) target(%dma_start3A_36 : memref<128x64xf32, #tpu.memory_space<vmem>>) offsets(%dma_start3A_39 : memref<128xi32, #tpu.memory_space<vmem>>) semaphore(%arg12 : memref<!tpu.dma_semaphore, #tpu.memory_space<semaphore_mem>>)
    %scan3A = arith.constant 0 : i32
    %scan3A_43 = arith.constant 0 : i32
    %scan3A_44 = arith.constant 50 : i32
    %scan3A_45 = arith.addi %scan3A_43, %scan3A_44 : i32
    %scan3A_46 = arith.constant 1 : i32
    scf.for %scan3A_143 = %scan3A_43 to %scan3A_45 step %scan3A_46  : i32 {
      %mul3A_144 = arith.constant 4 : i32
      %mul3A_145 = arith.muli %scan3A_143, %mul3A_144 : i32
      %add3A_146 = arith.constant 0 : i32
      %add3A_147 = arith.addi %mul3A_145, %add3A_146 : i32
      %dma_wait3A_148 = arith.constant 0 : i32
      %dma_wait3A_149 = arith.constant 0 : i32
      %dma_wait3A_150 = arith.constant 0 : i32
      %dma_wait3A_151 = arith.constant 0 : i32
      %dma_wait3A_152 = tpu.memref_slice %arg8[%dma_wait3A_149, %dma_wait3A_150, %dma_wait3A_151] : memref<4x128x64xf32, #tpu.memory_space<vmem>> -> memref<1x128x64xf32, #tpu.memory_space<vmem>>
      %dma_wait3A_153 = tpu.memref_squeeze %dma_wait3A_152 : memref<1x128x64xf32, #tpu.memory_space<vmem>> -> memref<128x64xf32, #tpu.memory_space<vmem>>
      %dma_wait3A_154 = arith.constant 0 : i32
      %dma_wait3A_155 = tpu.memref_slice %arg7[%dma_wait3A_148, %dma_wait3A_154] : memref<200x128xi32, #tpu.memory_space<vmem>> -> memref<1x128xi32, #tpu.memory_space<vmem>>
      %dma_wait3A_156 = tpu.memref_squeeze %dma_wait3A_155 : memref<1x128xi32, #tpu.memory_space<vmem>> -> memref<128xi32, #tpu.memory_space<vmem>>
      %dma_wait3A_157 = arith.constant 0 : i32
      %dma_wait3A_158 = arith.constant 0 : i32
      %dma_wait3A_159 = tpu.memref_slice %arg2[%dma_wait3A_157, %dma_wait3A_158] : memref<100000x64xf32, #tpu.memory_space<hbm>> -> memref<100000x64xf32, #tpu.memory_space<hbm>>
      tpu.wait_indirect_dma semaphore(%arg10 : memref<!tpu.dma_semaphore, #tpu.memory_space<semaphore_mem>>) src(%dma_wait3A_159 : memref<100000x64xf32, #tpu.memory_space<hbm>>) dst(%dma_wait3A_153 : memref<128x64xf32, #tpu.memory_space<vmem>>)
      %add3A_160 = arith.addi %mul3A_2, %add3A_147 : i32
      %mul3A_161 = arith.constant 128 : i32
      %mul3A_162 = arith.muli %add3A_160, %mul3A_161 : i32
      %rem3A_163 = arith.constant 200 : i32
      %rem3A_164 = arith.remsi %mul3A_162, %rem3A_163 : i32
      %gt3A = arith.constant 0 : i32
      %gt3A_165 = arith.cmpi sgt, %scan3A_143, %gt3A : i32
      %convert_element_type3A = arith.extui %gt3A_165 : i1 to i32
      %cond3A = arith.constant 0 : i32
      %cond3A_166 = arith.cmpi ne, %convert_element_type3A, %cond3A : i32
      scf.if %cond3A_166 {
        %dma_wait3A_387 = arith.constant 0 : i32
        %dma_wait3A_388 = arith.constant 0 : i32
        %dma_wait3A_389 = arith.constant 0 : i32
        %dma_wait3A_390 = tpu.memref_slice %arg9[%dma_wait3A_387, %dma_wait3A_388, %dma_wait3A_389] : memref<4x128x64xf32, #tpu.memory_space<vmem>> -> memref<1x128x64xf32, #tpu.memory_space<vmem>>
        %dma_wait3A_391 = tpu.memref_squeeze %dma_wait3A_390 : memref<1x128x64xf32, #tpu.memory_space<vmem>> -> memref<128x64xf32, #tpu.memory_space<vmem>>
        %dma_wait3A_392 = arith.constant 0 : i32
        %dma_wait3A_393 = arith.constant 0 : i32
        %dma_wait3A_394 = tpu.memref_slice %arg5[%dma_wait3A_392, %dma_wait3A_393] : memref<819200x128xf32, #tpu.memory_space<hbm>> -> memref<128x64xf32, #tpu.memory_space<hbm>>
        %dma_wait3A_395 = arith.constant 0 : i32
        %dma_wait3A_396 = arith.constant 0 : i32
        %dma_wait3A_397 = tpu.memref_slice %arg5[%dma_wait3A_395, %dma_wait3A_396] : memref<819200x128xf32, #tpu.memory_space<hbm>> -> memref<128x64xf32, #tpu.memory_space<hbm>>
        %dma_wait3A_398 = arith.constant 0 : i32
        %dma_wait3A_399 = arith.constant 0 : i32
        %dma_wait3A_400 = tpu.memref_slice %arg9[%dma_wait3A_387, %dma_wait3A_398, %dma_wait3A_399] : memref<4x128x64xf32, #tpu.memory_space<vmem>> -> memref<1x128x64xf32, #tpu.memory_space<vmem>>
        %dma_wait3A_401 = tpu.memref_squeeze %dma_wait3A_400 : memref<1x128x64xf32, #tpu.memory_space<vmem>> -> memref<128x64xf32, #tpu.memory_space<vmem>>
        tpu.wait_dma2 semaphore(%arg14 : memref<!tpu.dma_semaphore, #tpu.memory_space<semaphore_mem>>) src(%dma_wait3A_401 : memref<128x64xf32, #tpu.memory_space<vmem>>) dst(%dma_wait3A_397 : memref<128x64xf32, #tpu.memory_space<hbm>>)
      } else {
      }
      %parallel_loop3A = arith.constant 0 : i32
      %parallel_loop3A_167 = arith.constant 128 : i32
      %parallel_loop3A_168 = arith.constant 1 : i32
      scf.for %parallel_loop3A_387 = %parallel_loop3A to %parallel_loop3A_167 step %parallel_loop3A_168  : i32 {
        %parallel_loop3A_388 = arith.constant 0 : i32
        %parallel_loop3A_389 = arith.index_cast %parallel_loop3A_388 : i32 to index
        %parallel_loop3A_390 = arith.index_cast %parallel_loop3A_387 : i32 to index
        %parallel_loop3A_391 = arith.constant 0 : index
        %parallel_loop3A_392 = tpu.vector_load %arg8[%parallel_loop3A_389, %parallel_loop3A_390, %parallel_loop3A_391] {strides = array<i32>} : memref<4x128x64xf32, #tpu.memory_space<vmem>>, vector<1x1x16xf32>,
        %parallel_loop3A_393 = vector.shape_cast %parallel_loop3A_392 : vector<1x1x16xf32> to vector<16xf32>
        %parallel_loop3A_394 = arith.addi %rem3A_164, %parallel_loop3A_387 : i32
        %parallel_loop3A_395 = arith.index_cast %parallel_loop3A_394 : i32 to index
        %parallel_loop3A_396 = arith.constant 0 : index
        %parallel_loop3A_397 = tpu.vector_load %arg6[%parallel_loop3A_395, %parallel_loop3A_396] {strides = array<i32>} : memref<320x64xf32, #tpu.memory_space<vmem>>, vector<1x16xf32>,
        %parallel_loop3A_398 = vector.shape_cast %parallel_loop3A_397 : vector<1x16xf32> to vector<16xf32>
        %parallel_loop3A_399 = arith.addf %parallel_loop3A_393, %parallel_loop3A_398 : vector<16xf32>
        %parallel_loop3A_400 = arith.constant 0 : i32
        %parallel_loop3A_401 = arith.index_cast %parallel_loop3A_400 : i32 to index
        %parallel_loop3A_402 = arith.index_cast %parallel_loop3A_387 : i32 to index
        %parallel_loop3A_403 = arith.constant 0 : index
        %parallel_loop3A_404 = tpu.vector_load %arg9[%parallel_loop3A_401, %parallel_loop3A_402, %parallel_loop3A_403] {strides = array<i32>} : memref<4x128x64xf32, #tpu.memory_space<vmem>>, vector<1x1x16xf32>,
        %parallel_loop3A_405 = vector.shape_cast %parallel_loop3A_404 : vector<1x1x16xf32> to vector<16xf32>
        %parallel_loop3A_406 = vector.shape_cast %parallel_loop3A_399 : vector<16xf32> to vector<1x1x16xf32>
        tpu.vector_store %arg9[%parallel_loop3A_401, %parallel_loop3A_402, %parallel_loop3A_403], %parallel_loop3A_406 {strides = array<i32>} : memref<4x128x64xf32, #tpu.memory_space<vmem>>, vector<1x1x16xf32>,
        %parallel_loop3A_407 = arith.constant 0 : i32
        %parallel_loop3A_408 = arith.index_cast %parallel_loop3A_407 : i32 to index
        %parallel_loop3A_409 = arith.index_cast %parallel_loop3A_387 : i32 to index
        %parallel_loop3A_410 = arith.constant 16 : index
        %parallel_loop3A_411 = tpu.vector_load %arg8[%parallel_loop3A_408, %parallel_loop3A_409, %parallel_loop3A_410] {strides = array<i32>} : memref<4x128x64xf32, #tpu.memory_space<vmem>>, vector<1x1x16xf32>,
        %parallel_loop3A_412 = vector.shape_cast %parallel_loop3A_411 : vector<1x1x16xf32> to vector<16xf32>
        %parallel_loop3A_413 = arith.addi %rem3A_164, %parallel_loop3A_387 : i32
        %parallel_loop3A_414 = arith.index_cast %parallel_loop3A_413 : i32 to index
        %parallel_loop3A_415 = arith.constant 16 : index
        %parallel_loop3A_416 = tpu.vector_load %arg6[%parallel_loop3A_414, %parallel_loop3A_415] {strides = array<i32>} : memref<320x64xf32, #tpu.memory_space<vmem>>, vector<1x16xf32>,
        %parallel_loop3A_417 = vector.shape_cast %parallel_loop3A_416 : vector<1x16xf32> to vector<16xf32>
        %parallel_loop3A_418 = arith.addf %parallel_loop3A_412, %parallel_loop3A_417 : vector<16xf32>
        %parallel_loop3A_419 = arith.constant 0 : i32
        %parallel_loop3A_420 = arith.index_cast %parallel_loop3A_419 : i32 to index
        %parallel_loop3A_421 = arith.index_cast %parallel_loop3A_387 : i32 to index
        %parallel_loop3A_422 = arith.constant 16 : index
        %parallel_loop3A_423 = tpu.vector_load %arg9[%parallel_loop3A_420, %parallel_loop3A_421, %parallel_loop3A_422] {strides = array<i32>} : memref<4x128x64xf32, #tpu.memory_space<vmem>>, vector<1x1x16xf32>,
        %parallel_loop3A_424 = vector.shape_cast %parallel_loop3A_423 : vector<1x1x16xf32> to vector<16xf32>
        %parallel_loop3A_425 = vector.shape_cast %parallel_loop3A_418 : vector<16xf32> to vector<1x1x16xf32>
        tpu.vector_store %arg9[%parallel_loop3A_420, %parallel_loop3A_421, %parallel_loop3A_422], %parallel_loop3A_425 {strides = array<i32>} : memref<4x128x64xf32, #tpu.memory_space<vmem>>, vector<1x1x16xf32>,
        %parallel_loop3A_426 = arith.constant 0 : i32
        %parallel_loop3A_427 = arith.index_cast %parallel_loop3A_426 : i32 to index
        %parallel_loop3A_428 = arith.index_cast %parallel_loop3A_387 : i32 to index
        %parallel_loop3A_429 = arith.constant 32 : index
        %parallel_loop3A_430 = tpu.vector_load %arg8[%parallel_loop3A_427, %parallel_loop3A_428, %parallel_loop3A_429] {strides = array<i32>} : memref<4x128x64xf32, #tpu.memory_space<vmem>>, vector<1x1x16xf32>,
        %parallel_loop3A_431 = vector.shape_cast %parallel_loop3A_430 : vector<1x1x16xf32> to vector<16xf32>
        %parallel_loop3A_432 = arith.addi %rem3A_164, %parallel_loop3A_387 : i32
        %parallel_loop3A_433 = arith.index_cast %parallel_loop3A_432 : i32 to index
        %parallel_loop3A_434 = arith.constant 32 : index
        %parallel_loop3A_435 = tpu.vector_load %arg6[%parallel_loop3A_433, %parallel_loop3A_434] {strides = array<i32>} : memref<320x64xf32, #tpu.memory_space<vmem>>, vector<1x16xf32>,
        %parallel_loop3A_436 = vector.shape_cast %parallel_loop3A_435 : vector<1x16xf32> to vector<16xf32>
        %parallel_loop3A_437 = arith.addf %parallel_loop3A_431, %parallel_loop3A_436 : vector<16xf32>
        %parallel_loop3A_438 = arith.constant 0 : i32
        %parallel_loop3A_439 = arith.index_cast %parallel_loop3A_438 : i32 to index
        %parallel_loop3A_440 = arith.index_cast %parallel_loop3A_387 : i32 to index
        %parallel_loop3A_441 = arith.constant 32 : index
        %parallel_loop3A_442 = tpu.vector_load %arg9[%parallel_loop3A_439, %parallel_loop3A_440, %parallel_loop3A_441] {strides = array<i32>} : memref<4x128x64xf32, #tpu.memory_space<vmem>>, vector<1x1x16xf32>,
        %parallel_loop3A_443 = vector.shape_cast %parallel_loop3A_442 : vector<1x1x16xf32> to vector<16xf32>
        %parallel_loop3A_444 = vector.shape_cast %parallel_loop3A_437 : vector<16xf32> to vector<1x1x16xf32>
        tpu.vector_store %arg9[%parallel_loop3A_439, %parallel_loop3A_440, %parallel_loop3A_441], %parallel_loop3A_444 {strides = array<i32>} : memref<4x128x64xf32, #tpu.memory_space<vmem>>, vector<1x1x16xf32>,
        %parallel_loop3A_445 = arith.constant 0 : i32
        %parallel_loop3A_446 = arith.index_cast %parallel_loop3A_445 : i32 to index
        %parallel_loop3A_447 = arith.index_cast %parallel_loop3A_387 : i32 to index
        %parallel_loop3A_448 = arith.constant 48 : index
        %parallel_loop3A_449 = tpu.vector_load %arg8[%parallel_loop3A_446, %parallel_loop3A_447, %parallel_loop3A_448] {strides = array<i32>} : memref<4x128x64xf32, #tpu.memory_space<vmem>>, vector<1x1x16xf32>,
        %parallel_loop3A_450 = vector.shape_cast %parallel_loop3A_449 : vector<1x1x16xf32> to vector<16xf32>
        %parallel_loop3A_451 = arith.addi %rem3A_164, %parallel_loop3A_387 : i32
        %parallel_loop3A_452 = arith.index_cast %parallel_loop3A_451 : i32 to index
        %parallel_loop3A_453 = arith.constant 48 : index
        %parallel_loop3A_454 = tpu.vector_load %arg6[%parallel_loop3A_452, %parallel_loop3A_453] {strides = array<i32>} : memref<320x64xf32, #tpu.memory_space<vmem>>, vector<1x16xf32>,
        %parallel_loop3A_455 = vector.shape_cast %parallel_loop3A_454 : vector<1x16xf32> to vector<16xf32>
        %parallel_loop3A_456 = arith.addf %parallel_loop3A_450, %parallel_loop3A_455 : vector<16xf32>
        %parallel_loop3A_457 = arith.constant 0 : i32
        %parallel_loop3A_458 = arith.index_cast %parallel_loop3A_457 : i32 to index
        %parallel_loop3A_459 = arith.index_cast %parallel_loop3A_387 : i32 to index
        %parallel_loop3A_460 = arith.constant 48 : index
        %parallel_loop3A_461 = tpu.vector_load %arg9[%parallel_loop3A_458, %parallel_loop3A_459, %parallel_loop3A_460] {strides = array<i32>} : memref<4x128x64xf32, #tpu.memory_space<vmem>>, vector<1x1x16xf32>,
        %parallel_loop3A_462 = vector.shape_cast %parallel_loop3A_461 : vector<1x1x16xf32> to vector<16xf32>
        %parallel_loop3A_463 = vector.shape_cast %parallel_loop3A_456 : vector<16xf32> to vector<1x1x16xf32>
        tpu.vector_store %arg9[%parallel_loop3A_458, %parallel_loop3A_459, %parallel_loop3A_460], %parallel_loop3A_463 {strides = array<i32>} : memref<4x128x64xf32, #tpu.memory_space<vmem>>, vector<1x1x16xf32>,
      } {sc.loop_unroll_factor = 8 : i64, sc.parallel_access}
      %add3A_169 = arith.constant 4 : i32
      %add3A_170 = arith.addi %add3A_147, %add3A_169 : i32
      %sub3A = arith.constant 1 : i32
      %sub3A_171 = arith.subi %add3A_170, %sub3A : i32
      %rem3A_172 = arith.constant 200 : i32
      %rem3A_173 = arith.remsi %sub3A_171, %rem3A_172 : i32
      %dma_start3A_174 = arith.constant 3 : i32
      %dma_start3A_175 = arith.constant 0 : i32
      %dma_start3A_176 = arith.constant 0 : i32
      %dma_start3A_177 = tpu.memref_slice %arg8[%dma_start3A_174, %dma_start3A_175, %dma_start3A_176] : memref<4x128x64xf32, #tpu.memory_space<vmem>> -> memref<1x128x64xf32, #tpu.memory_space<vmem>>
      %dma_start3A_178 = tpu.memref_squeeze %dma_start3A_177 : memref<1x128x64xf32, #tpu.memory_space<vmem>> -> memref<128x64xf32, #tpu.memory_space<vmem>>
      %dma_start3A_179 = arith.constant 0 : i32
      %dma_start3A_180 = tpu.memref_slice %arg7[%rem3A_173, %dma_start3A_179] : memref<200x128xi32, #tpu.memory_space<vmem>> -> memref<1x128xi32, #tpu.memory_space<vmem>>
      %dma_start3A_181 = tpu.memref_squeeze %dma_start3A_180 : memref<1x128xi32, #tpu.memory_space<vmem>> -> memref<128xi32, #tpu.memory_space<vmem>>
      %dma_start3A_182 = arith.constant 0 : i32
      %dma_start3A_183 = arith.constant 0 : i32
      %dma_start3A_184 = tpu.memref_slice %arg2[%dma_start3A_182, %dma_start3A_183] : memref<100000x64xf32, #tpu.memory_space<hbm>> -> memref<100000x64xf32, #tpu.memory_space<hbm>>
      tpu.enqueue_indirect_dma source(%dma_start3A_184 : memref<100000x64xf32, #tpu.memory_space<hbm>>) target(%dma_start3A_178 : memref<128x64xf32, #tpu.memory_space<vmem>>) offsets(%dma_start3A_181 : memref<128xi32, #tpu.memory_space<vmem>>) semaphore(%arg13 : memref<!tpu.dma_semaphore, #tpu.memory_space<semaphore_mem>>)
      %add3A_185 = arith.addi %mul3A_2, %add3A_147 : i32
      %mul3A_186 = arith.constant 128 : i32
      %mul3A_187 = arith.muli %add3A_185, %mul3A_186 : i32
      %dma_start3A_188 = arith.constant 0 : i32
      %dma_start3A_189 = arith.constant 0 : i32
      %dma_start3A_190 = arith.constant 0 : i32
      %dma_start3A_191 = tpu.memref_slice %arg9[%dma_start3A_188, %dma_start3A_189, %dma_start3A_190] : memref<4x128x64xf32, #tpu.memory_space<vmem>> -> memref<1x128x64xf32, #tpu.memory_space<vmem>>
      %dma_start3A_192 = tpu.memref_squeeze %dma_start3A_191 : memref<1x128x64xf32, #tpu.memory_space<vmem>> -> memref<128x64xf32, #tpu.memory_space<vmem>>
      %dma_start3A_193 = arith.constant 0 : i32
      %dma_start3A_194 = tpu.memref_slice %arg5[%mul3A_187, %dma_start3A_193] : memref<819200x128xf32, #tpu.memory_space<hbm>> -> memref<128x64xf32, #tpu.memory_space<hbm>>
      %dma_start3A_195 = arith.constant 0 : i32
      %dma_start3A_196 = tpu.memref_slice %arg5[%mul3A_187, %dma_start3A_195] : memref<819200x128xf32, #tpu.memory_space<hbm>> -> memref<128x64xf32, #tpu.memory_space<hbm>>
      %dma_start3A_197 = arith.constant 0 : i32
      %dma_start3A_198 = arith.constant 0 : i32
      %dma_start3A_199 = tpu.memref_slice %arg9[%dma_start3A_188, %dma_start3A_197, %dma_start3A_198] : memref<4x128x64xf32, #tpu.memory_space<vmem>> -> memref<1x128x64xf32, #tpu.memory_space<vmem>>
      %dma_start3A_200 = tpu.memref_squeeze %dma_start3A_199 : memref<1x128x64xf32, #tpu.memory_space<vmem>> -> memref<128x64xf32, #tpu.memory_space<vmem>>
      tpu.enqueue_dma source(%dma_start3A_200 : memref<128x64xf32, #tpu.memory_space<vmem>>) target(%dma_start3A_196 : memref<128x64xf32, #tpu.memory_space<hbm>>) target_semaphore(%arg14 : memref<!tpu.dma_semaphore, #tpu.memory_space<semaphore_mem>>)
      %mul3A_201 = arith.constant 4 : i32
      %mul3A_202 = arith.muli %scan3A_143, %mul3A_201 : i32
      %add3A_203 = arith.constant 1 : i32
      %add3A_204 = arith.addi %mul3A_202, %add3A_203 : i32
      %dma_wait3A_205 = arith.constant 0 : i32
      %dma_wait3A_206 = arith.constant 1 : i32
      %dma_wait3A_207 = arith.constant 0 : i32
      %dma_wait3A_208 = arith.constant 0 : i32
      %dma_wait3A_209 = tpu.memref_slice %arg8[%dma_wait3A_206, %dma_wait3A_207, %dma_wait3A_208] : memref<4x128x64xf32, #tpu.memory_space<vmem>> -> memref<1x128x64xf32, #tpu.memory_space<vmem>>
      %dma_wait3A_210 = tpu.memref_squeeze %dma_wait3A_209 : memref<1x128x64xf32, #tpu.memory_space<vmem>> -> memref<128x64xf32, #tpu.memory_space<vmem>>
      %dma_wait3A_211 = arith.constant 0 : i32
      %dma_wait3A_212 = tpu.memref_slice %arg7[%dma_wait3A_205, %dma_wait3A_211] : memref<200x128xi32, #tpu.memory_space<vmem>> -> memref<1x128xi32, #tpu.memory_space<vmem>>
      %dma_wait3A_213 = tpu.memref_squeeze %dma_wait3A_212 : memref<1x128xi32, #tpu.memory_space<vmem>> -> memref<128xi32, #tpu.memory_space<vmem>>
      %dma_wait3A_214 = arith.constant 0 : i32
      %dma_wait3A_215 = arith.constant 0 : i32
      %dma_wait3A_216 = tpu.memref_slice %arg2[%dma_wait3A_214, %dma_wait3A_215] : memref<100000x64xf32, #tpu.memory_space<hbm>> -> memref<100000x64xf32, #tpu.memory_space<hbm>>
      tpu.wait_indirect_dma semaphore(%arg11 : memref<!tpu.dma_semaphore, #tpu.memory_space<semaphore_mem>>) src(%dma_wait3A_216 : memref<100000x64xf32, #tpu.memory_space<hbm>>) dst(%dma_wait3A_210 : memref<128x64xf32, #tpu.memory_space<vmem>>)
      %add3A_217 = arith.addi %mul3A_2, %add3A_204 : i32
      %mul3A_218 = arith.constant 128 : i32
      %mul3A_219 = arith.muli %add3A_217, %mul3A_218 : i32
      %rem3A_220 = arith.constant 200 : i32
      %rem3A_221 = arith.remsi %mul3A_219, %rem3A_220 : i32
      %gt3A_222 = arith.constant 0 : i32
      %gt3A_223 = arith.cmpi sgt, %scan3A_143, %gt3A_222 : i32
      %convert_element_type3A_224 = arith.extui %gt3A_223 : i1 to i32
      %cond3A_225 = arith.constant 0 : i32
      %cond3A_226 = arith.cmpi ne, %convert_element_type3A_224, %cond3A_225 : i32
      scf.if %cond3A_226 {
        %dma_wait3A_387 = arith.constant 1 : i32
        %dma_wait3A_388 = arith.constant 0 : i32
        %dma_wait3A_389 = arith.constant 0 : i32
        %dma_wait3A_390 = tpu.memref_slice %arg9[%dma_wait3A_387, %dma_wait3A_388, %dma_wait3A_389] : memref<4x128x64xf32, #tpu.memory_space<vmem>> -> memref<1x128x64xf32, #tpu.memory_space<vmem>>
        %dma_wait3A_391 = tpu.memref_squeeze %dma_wait3A_390 : memref<1x128x64xf32, #tpu.memory_space<vmem>> -> memref<128x64xf32, #tpu.memory_space<vmem>>
        %dma_wait3A_392 = arith.constant 0 : i32
        %dma_wait3A_393 = arith.constant 0 : i32
        %dma_wait3A_394 = tpu.memref_slice %arg5[%dma_wait3A_392, %dma_wait3A_393] : memref<819200x128xf32, #tpu.memory_space<hbm>> -> memref<128x64xf32, #tpu.memory_space<hbm>>
        %dma_wait3A_395 = arith.constant 0 : i32
        %dma_wait3A_396 = arith.constant 0 : i32
        %dma_wait3A_397 = tpu.memref_slice %arg5[%dma_wait3A_395, %dma_wait3A_396] : memref<819200x128xf32, #tpu.memory_space<hbm>> -> memref<128x64xf32, #tpu.memory_space<hbm>>
        %dma_wait3A_398 = arith.constant 0 : i32
        %dma_wait3A_399 = arith.constant 0 : i32
        %dma_wait3A_400 = tpu.memref_slice %arg9[%dma_wait3A_387, %dma_wait3A_398, %dma_wait3A_399] : memref<4x128x64xf32, #tpu.memory_space<vmem>> -> memref<1x128x64xf32, #tpu.memory_space<vmem>>
        %dma_wait3A_401 = tpu.memref_squeeze %dma_wait3A_400 : memref<1x128x64xf32, #tpu.memory_space<vmem>> -> memref<128x64xf32, #tpu.memory_space<vmem>>
        tpu.wait_dma2 semaphore(%arg15 : memref<!tpu.dma_semaphore, #tpu.memory_space<semaphore_mem>>) src(%dma_wait3A_401 : memref<128x64xf32, #tpu.memory_space<vmem>>) dst(%dma_wait3A_397 : memref<128x64xf32, #tpu.memory_space<hbm>>)
      } else {
      }
      %parallel_loop3A_227 = arith.constant 0 : i32
      %parallel_loop3A_228 = arith.constant 128 : i32
      %parallel_loop3A_229 = arith.constant 1 : i32
      scf.for %parallel_loop3A_387 = %parallel_loop3A_227 to %parallel_loop3A_228 step %parallel_loop3A_229  : i32 {
        %parallel_loop3A_388 = arith.constant 1 : i32
        %parallel_loop3A_389 = arith.index_cast %parallel_loop3A_388 : i32 to index
        %parallel_loop3A_390 = arith.index_cast %parallel_loop3A_387 : i32 to index
        %parallel_loop3A_391 = arith.constant 0 : index
        %parallel_loop3A_392 = tpu.vector_load %arg8[%parallel_loop3A_389, %parallel_loop3A_390, %parallel_loop3A_391] {strides = array<i32>} : memref<4x128x64xf32, #tpu.memory_space<vmem>>, vector<1x1x16xf32>,
        %parallel_loop3A_393 = vector.shape_cast %parallel_loop3A_392 : vector<1x1x16xf32> to vector<16xf32>
        %parallel_loop3A_394 = arith.addi %rem3A_221, %parallel_loop3A_387 : i32
        %parallel_loop3A_395 = arith.index_cast %parallel_loop3A_394 : i32 to index
        %parallel_loop3A_396 = arith.constant 0 : index
        %parallel_loop3A_397 = tpu.vector_load %arg6[%parallel_loop3A_395, %parallel_loop3A_396] {strides = array<i32>} : memref<320x64xf32, #tpu.memory_space<vmem>>, vector<1x16xf32>,
        %parallel_loop3A_398 = vector.shape_cast %parallel_loop3A_397 : vector<1x16xf32> to vector<16xf32>
        %parallel_loop3A_399 = arith.addf %parallel_loop3A_393, %parallel_loop3A_398 : vector<16xf32>
        %parallel_loop3A_400 = arith.constant 1 : i32
        %parallel_loop3A_401 = arith.index_cast %parallel_loop3A_400 : i32 to index
        %parallel_loop3A_402 = arith.index_cast %parallel_loop3A_387 : i32 to index
        %parallel_loop3A_403 = arith.constant 0 : index
        %parallel_loop3A_404 = tpu.vector_load %arg9[%parallel_loop3A_401, %parallel_loop3A_402, %parallel_loop3A_403] {strides = array<i32>} : memref<4x128x64xf32, #tpu.memory_space<vmem>>, vector<1x1x16xf32>,
        %parallel_loop3A_405 = vector.shape_cast %parallel_loop3A_404 : vector<1x1x16xf32> to vector<16xf32>
        %parallel_loop3A_406 = vector.shape_cast %parallel_loop3A_399 : vector<16xf32> to vector<1x1x16xf32>
        tpu.vector_store %arg9[%parallel_loop3A_401, %parallel_loop3A_402, %parallel_loop3A_403], %parallel_loop3A_406 {strides = array<i32>} : memref<4x128x64xf32, #tpu.memory_space<vmem>>, vector<1x1x16xf32>,
        %parallel_loop3A_407 = arith.constant 1 : i32
        %parallel_loop3A_408 = arith.index_cast %parallel_loop3A_407 : i32 to index
        %parallel_loop3A_409 = arith.index_cast %parallel_loop3A_387 : i32 to index
        %parallel_loop3A_410 = arith.constant 16 : index
        %parallel_loop3A_411 = tpu.vector_load %arg8[%parallel_loop3A_408, %parallel_loop3A_409, %parallel_loop3A_410] {strides = array<i32>} : memref<4x128x64xf32, #tpu.memory_space<vmem>>, vector<1x1x16xf32>,
        %parallel_loop3A_412 = vector.shape_cast %parallel_loop3A_411 : vector<1x1x16xf32> to vector<16xf32>
        %parallel_loop3A_413 = arith.addi %rem3A_221, %parallel_loop3A_387 : i32
        %parallel_loop3A_414 = arith.index_cast %parallel_loop3A_413 : i32 to index
        %parallel_loop3A_415 = arith.constant 16 : index
        %parallel_loop3A_416 = tpu.vector_load %arg6[%parallel_loop3A_414, %parallel_loop3A_415] {strides = array<i32>} : memref<320x64xf32, #tpu.memory_space<vmem>>, vector<1x16xf32>,
        %parallel_loop3A_417 = vector.shape_cast %parallel_loop3A_416 : vector<1x16xf32> to vector<16xf32>
        %parallel_loop3A_418 = arith.addf %parallel_loop3A_412, %parallel_loop3A_417 : vector<16xf32>
        %parallel_loop3A_419 = arith.constant 1 : i32
        %parallel_loop3A_420 = arith.index_cast %parallel_loop3A_419 : i32 to index
        %parallel_loop3A_421 = arith.index_cast %parallel_loop3A_387 : i32 to index
        %parallel_loop3A_422 = arith.constant 16 : index
        %parallel_loop3A_423 = tpu.vector_load %arg9[%parallel_loop3A_420, %parallel_loop3A_421, %parallel_loop3A_422] {strides = array<i32>} : memref<4x128x64xf32, #tpu.memory_space<vmem>>, vector<1x1x16xf32>,
        %parallel_loop3A_424 = vector.shape_cast %parallel_loop3A_423 : vector<1x1x16xf32> to vector<16xf32>
        %parallel_loop3A_425 = vector.shape_cast %parallel_loop3A_418 : vector<16xf32> to vector<1x1x16xf32>
        tpu.vector_store %arg9[%parallel_loop3A_420, %parallel_loop3A_421, %parallel_loop3A_422], %parallel_loop3A_425 {strides = array<i32>} : memref<4x128x64xf32, #tpu.memory_space<vmem>>, vector<1x1x16xf32>,
        %parallel_loop3A_426 = arith.constant 1 : i32
        %parallel_loop3A_427 = arith.index_cast %parallel_loop3A_426 : i32 to index
        %parallel_loop3A_428 = arith.index_cast %parallel_loop3A_387 : i32 to index
        %parallel_loop3A_429 = arith.constant 32 : index
        %parallel_loop3A_430 = tpu.vector_load %arg8[%parallel_loop3A_427, %parallel_loop3A_428, %parallel_loop3A_429] {strides = array<i32>} : memref<4x128x64xf32, #tpu.memory_space<vmem>>, vector<1x1x16xf32>,
        %parallel_loop3A_431 = vector.shape_cast %parallel_loop3A_430 : vector<1x1x16xf32> to vector<16xf32>
        %parallel_loop3A_432 = arith.addi %rem3A_221, %parallel_loop3A_387 : i32
        %parallel_loop3A_433 = arith.index_cast %parallel_loop3A_432 : i32 to index
        %parallel_loop3A_434 = arith.constant 32 : index
        %parallel_loop3A_435 = tpu.vector_load %arg6[%parallel_loop3A_433, %parallel_loop3A_434] {strides = array<i32>} : memref<320x64xf32, #tpu.memory_space<vmem>>, vector<1x16xf32>,
        %parallel_loop3A_436 = vector.shape_cast %parallel_loop3A_435 : vector<1x16xf32> to vector<16xf32>
        %parallel_loop3A_437 = arith.addf %parallel_loop3A_431, %parallel_loop3A_436 : vector<16xf32>
        %parallel_loop3A_438 = arith.constant 1 : i32
        %parallel_loop3A_439 = arith.index_cast %parallel_loop3A_438 : i32 to index
        %parallel_loop3A_440 = arith.index_cast %parallel_loop3A_387 : i32 to index
        %parallel_loop3A_441 = arith.constant 32 : index
        %parallel_loop3A_442 = tpu.vector_load %arg9[%parallel_loop3A_439, %parallel_loop3A_440, %parallel_loop3A_441] {strides = array<i32>} : memref<4x128x64xf32, #tpu.memory_space<vmem>>, vector<1x1x16xf32>,
        %parallel_loop3A_443 = vector.shape_cast %parallel_loop3A_442 : vector<1x1x16xf32> to vector<16xf32>
        %parallel_loop3A_444 = vector.shape_cast %parallel_loop3A_437 : vector<16xf32> to vector<1x1x16xf32>
        tpu.vector_store %arg9[%parallel_loop3A_439, %parallel_loop3A_440, %parallel_loop3A_441], %parallel_loop3A_444 {strides = array<i32>} : memref<4x128x64xf32, #tpu.memory_space<vmem>>, vector<1x1x16xf32>,
        %parallel_loop3A_445 = arith.constant 1 : i32
        %parallel_loop3A_446 = arith.index_cast %parallel_loop3A_445 : i32 to index
        %parallel_loop3A_447 = arith.index_cast %parallel_loop3A_387 : i32 to index
        %parallel_loop3A_448 = arith.constant 48 : index
        %parallel_loop3A_449 = tpu.vector_load %arg8[%parallel_loop3A_446, %parallel_loop3A_447, %parallel_loop3A_448] {strides = array<i32>} : memref<4x128x64xf32, #tpu.memory_space<vmem>>, vector<1x1x16xf32>,
        %parallel_loop3A_450 = vector.shape_cast %parallel_loop3A_449 : vector<1x1x16xf32> to vector<16xf32>
        %parallel_loop3A_451 = arith.addi %rem3A_221, %parallel_loop3A_387 : i32
        %parallel_loop3A_452 = arith.index_cast %parallel_loop3A_451 : i32 to index
        %parallel_loop3A_453 = arith.constant 48 : index
        %parallel_loop3A_454 = tpu.vector_load %arg6[%parallel_loop3A_452, %parallel_loop3A_453] {strides = array<i32>} : memref<320x64xf32, #tpu.memory_space<vmem>>, vector<1x16xf32>,
        %parallel_loop3A_455 = vector.shape_cast %parallel_loop3A_454 : vector<1x16xf32> to vector<16xf32>
        %parallel_loop3A_456 = arith.addf %parallel_loop3A_450, %parallel_loop3A_455 : vector<16xf32>
        %parallel_loop3A_457 = arith.constant 1 : i32
        %parallel_loop3A_458 = arith.index_cast %parallel_loop3A_457 : i32 to index
        %parallel_loop3A_459 = arith.index_cast %parallel_loop3A_387 : i32 to index
        %parallel_loop3A_460 = arith.constant 48 : index
        %parallel_loop3A_461 = tpu.vector_load %arg9[%parallel_loop3A_458, %parallel_loop3A_459, %parallel_loop3A_460] {strides = array<i32>} : memref<4x128x64xf32, #tpu.memory_space<vmem>>, vector<1x1x16xf32>,
        %parallel_loop3A_462 = vector.shape_cast %parallel_loop3A_461 : vector<1x1x16xf32> to vector<16xf32>
        %parallel_loop3A_463 = vector.shape_cast %parallel_loop3A_456 : vector<16xf32> to vector<1x1x16xf32>
        tpu.vector_store %arg9[%parallel_loop3A_458, %parallel_loop3A_459, %parallel_loop3A_460], %parallel_loop3A_463 {strides = array<i32>} : memref<4x128x64xf32, #tpu.memory_space<vmem>>, vector<1x1x16xf32>,
      } {sc.loop_unroll_factor = 8 : i64, sc.parallel_access}
      %add3A_230 = arith.constant 4 : i32
      %add3A_231 = arith.addi %add3A_204, %add3A_230 : i32
      %sub3A_232 = arith.constant 1 : i32
      %sub3A_233 = arith.subi %add3A_231, %sub3A_232 : i32
      %rem3A_234 = arith.constant 200 : i32
      %rem3A_235 = arith.remsi %sub3A_233, %rem3A_234 : i32
      %dma_start3A_236 = arith.constant 0 : i32
      %dma_start3A_237 = arith.constant 0 : i32
      %dma_start3A_238 = arith.constant 0 : i32
      %dma_start3A_239 = tpu.memref_slice %arg8[%dma_start3A_236, %dma_start3A_237, %dma_start3A_238] : memref<4x128x64xf32, #tpu.memory_space<vmem>> -> memref<1x128x64xf32, #tpu.memory_space<vmem>>
      %dma_start3A_240 = tpu.memref_squeeze %dma_start3A_239 : memref<1x128x64xf32, #tpu.memory_space<vmem>> -> memref<128x64xf32, #tpu.memory_space<vmem>>
      %dma_start3A_241 = arith.constant 0 : i32
      %dma_start3A_242 = tpu.memref_slice %arg7[%rem3A_235, %dma_start3A_241] : memref<200x128xi32, #tpu.memory_space<vmem>> -> memref<1x128xi32, #tpu.memory_space<vmem>>
      %dma_start3A_243 = tpu.memref_squeeze %dma_start3A_242 : memref<1x128xi32, #tpu.memory_space<vmem>> -> memref<128xi32, #tpu.memory_space<vmem>>
      %dma_start3A_244 = arith.constant 0 : i32
      %dma_start3A_245 = arith.constant 0 : i32
      %dma_start3A_246 = tpu.memref_slice %arg2[%dma_start3A_244, %dma_start3A_245] : memref<100000x64xf32, #tpu.memory_space<hbm>> -> memref<100000x64xf32, #tpu.memory_space<hbm>>
      tpu.enqueue_indirect_dma source(%dma_start3A_246 : memref<100000x64xf32, #tpu.memory_space<hbm>>) target(%dma_start3A_240 : memref<128x64xf32, #tpu.memory_space<vmem>>) offsets(%dma_start3A_243 : memref<128xi32, #tpu.memory_space<vmem>>) semaphore(%arg10 : memref<!tpu.dma_semaphore, #tpu.memory_space<semaphore_mem>>)
      %add3A_247 = arith.addi %mul3A_2, %add3A_204 : i32
      %mul3A_248 = arith.constant 128 : i32
      %mul3A_249 = arith.muli %add3A_247, %mul3A_248 : i32
      %dma_start3A_250 = arith.constant 1 : i32
      %dma_start3A_251 = arith.constant 0 : i32
      %dma_start3A_252 = arith.constant 0 : i32
      %dma_start3A_253 = tpu.memref_slice %arg9[%dma_start3A_250, %dma_start3A_251, %dma_start3A_252] : memref<4x128x64xf32, #tpu.memory_space<vmem>> -> memref<1x128x64xf32, #tpu.memory_space<vmem>>
      %dma_start3A_254 = tpu.memref_squeeze %dma_start3A_253 : memref<1x128x64xf32, #tpu.memory_space<vmem>> -> memref<128x64xf32, #tpu.memory_space<vmem>>
      %dma_start3A_255 = arith.constant 0 : i32
      %dma_start3A_256 = tpu.memref_slice %arg5[%mul3A_249, %dma_start3A_255] : memref<819200x128xf32, #tpu.memory_space<hbm>> -> memref<128x64xf32, #tpu.memory_space<hbm>>
      %dma_start3A_257 = arith.constant 0 : i32
      %dma_start3A_258 = tpu.memref_slice %arg5[%mul3A_249, %dma_start3A_257] : memref<819200x128xf32, #tpu.memory_space<hbm>> -> memref<128x64xf32, #tpu.memory_space<hbm>>
      %dma_start3A_259 = arith.constant 0 : i32
      %dma_start3A_260 = arith.constant 0 : i32
      %dma_start3A_261 = tpu.memref_slice %arg9[%dma_start3A_250, %dma_start3A_259, %dma_start3A_260] : memref<4x128x64xf32, #tpu.memory_space<vmem>> -> memref<1x128x64xf32, #tpu.memory_space<vmem>>
      %dma_start3A_262 = tpu.memref_squeeze %dma_start3A_261 : memref<1x128x64xf32, #tpu.memory_space<vmem>> -> memref<128x64xf32, #tpu.memory_space<vmem>>
      tpu.enqueue_dma source(%dma_start3A_262 : memref<128x64xf32, #tpu.memory_space<vmem>>) target(%dma_start3A_258 : memref<128x64xf32, #tpu.memory_space<hbm>>) target_semaphore(%arg15 : memref<!tpu.dma_semaphore, #tpu.memory_space<semaphore_mem>>)
      %mul3A_263 = arith.constant 4 : i32
      %mul3A_264 = arith.muli %scan3A_143, %mul3A_263 : i32
      %add3A_265 = arith.constant 2 : i32
      %add3A_266 = arith.addi %mul3A_264, %add3A_265 : i32
      %dma_wait3A_267 = arith.constant 0 : i32
      %dma_wait3A_268 = arith.constant 2 : i32
      %dma_wait3A_269 = arith.constant 0 : i32
      %dma_wait3A_270 = arith.constant 0 : i32
      %dma_wait3A_271 = tpu.memref_slice %arg8[%dma_wait3A_268, %dma_wait3A_269, %dma_wait3A_270] : memref<4x128x64xf32, #tpu.memory_space<vmem>> -> memref<1x128x64xf32, #tpu.memory_space<vmem>>
      %dma_wait3A_272 = tpu.memref_squeeze %dma_wait3A_271 : memref<1x128x64xf32, #tpu.memory_space<vmem>> -> memref<128x64xf32, #tpu.memory_space<vmem>>
      %dma_wait3A_273 = arith.constant 0 : i32
      %dma_wait3A_274 = tpu.memref_slice %arg7[%dma_wait3A_267, %dma_wait3A_273] : memref<200x128xi32, #tpu.memory_space<vmem>> -> memref<1x128xi32, #tpu.memory_space<vmem>>
      %dma_wait3A_275 = tpu.memref_squeeze %dma_wait3A_274 : memref<1x128xi32, #tpu.memory_space<vmem>> -> memref<128xi32, #tpu.memory_space<vmem>>
      %dma_wait3A_276 = arith.constant 0 : i32
      %dma_wait3A_277 = arith.constant 0 : i32
      %dma_wait3A_278 = tpu.memref_slice %arg2[%dma_wait3A_276, %dma_wait3A_277] : memref<100000x64xf32, #tpu.memory_space<hbm>> -> memref<100000x64xf32, #tpu.memory_space<hbm>>
      tpu.wait_indirect_dma semaphore(%arg12 : memref<!tpu.dma_semaphore, #tpu.memory_space<semaphore_mem>>) src(%dma_wait3A_278 : memref<100000x64xf32, #tpu.memory_space<hbm>>) dst(%dma_wait3A_272 : memref<128x64xf32, #tpu.memory_space<vmem>>)
      %add3A_279 = arith.addi %mul3A_2, %add3A_266 : i32
      %mul3A_280 = arith.constant 128 : i32
      %mul3A_281 = arith.muli %add3A_279, %mul3A_280 : i32
      %rem3A_282 = arith.constant 200 : i32
      %rem3A_283 = arith.remsi %mul3A_281, %rem3A_282 : i32
      %gt3A_284 = arith.constant 0 : i32
      %gt3A_285 = arith.cmpi sgt, %scan3A_143, %gt3A_284 : i32
      %convert_element_type3A_286 = arith.extui %gt3A_285 : i1 to i32
      %cond3A_287 = arith.constant 0 : i32
      %cond3A_288 = arith.cmpi ne, %convert_element_type3A_286, %cond3A_287 : i32
      scf.if %cond3A_288 {
        %dma_wait3A_387 = arith.constant 2 : i32
        %dma_wait3A_388 = arith.constant 0 : i32
        %dma_wait3A_389 = arith.constant 0 : i32
        %dma_wait3A_390 = tpu.memref_slice %arg9[%dma_wait3A_387, %dma_wait3A_388, %dma_wait3A_389] : memref<4x128x64xf32, #tpu.memory_space<vmem>> -> memref<1x128x64xf32, #tpu.memory_space<vmem>>
        %dma_wait3A_391 = tpu.memref_squeeze %dma_wait3A_390 : memref<1x128x64xf32, #tpu.memory_space<vmem>> -> memref<128x64xf32, #tpu.memory_space<vmem>>
        %dma_wait3A_392 = arith.constant 0 : i32
        %dma_wait3A_393 = arith.constant 0 : i32
        %dma_wait3A_394 = tpu.memref_slice %arg5[%dma_wait3A_392, %dma_wait3A_393] : memref<819200x128xf32, #tpu.memory_space<hbm>> -> memref<128x64xf32, #tpu.memory_space<hbm>>
        %dma_wait3A_395 = arith.constant 0 : i32
        %dma_wait3A_396 = arith.constant 0 : i32
        %dma_wait3A_397 = tpu.memref_slice %arg5[%dma_wait3A_395, %dma_wait3A_396] : memref<819200x128xf32, #tpu.memory_space<hbm>> -> memref<128x64xf32, #tpu.memory_space<hbm>>
        %dma_wait3A_398 = arith.constant 0 : i32
        %dma_wait3A_399 = arith.constant 0 : i32
        %dma_wait3A_400 = tpu.memref_slice %arg9[%dma_wait3A_387, %dma_wait3A_398, %dma_wait3A_399] : memref<4x128x64xf32, #tpu.memory_space<vmem>> -> memref<1x128x64xf32, #tpu.memory_space<vmem>>
        %dma_wait3A_401 = tpu.memref_squeeze %dma_wait3A_400 : memref<1x128x64xf32, #tpu.memory_space<vmem>> -> memref<128x64xf32, #tpu.memory_space<vmem>>
        tpu.wait_dma2 semaphore(%arg16 : memref<!tpu.dma_semaphore, #tpu.memory_space<semaphore_mem>>) src(%dma_wait3A_401 : memref<128x64xf32, #tpu.memory_space<vmem>>) dst(%dma_wait3A_397 : memref<128x64xf32, #tpu.memory_space<hbm>>)
      } else {
      }
      %parallel_loop3A_289 = arith.constant 0 : i32
      %parallel_loop3A_290 = arith.constant 128 : i32
      %parallel_loop3A_291 = arith.constant 1 : i32
      scf.for %parallel_loop3A_387 = %parallel_loop3A_289 to %parallel_loop3A_290 step %parallel_loop3A_291  : i32 {
        %parallel_loop3A_388 = arith.constant 2 : i32
        %parallel_loop3A_389 = arith.index_cast %parallel_loop3A_388 : i32 to index
        %parallel_loop3A_390 = arith.index_cast %parallel_loop3A_387 : i32 to index
        %parallel_loop3A_391 = arith.constant 0 : index
        %parallel_loop3A_392 = tpu.vector_load %arg8[%parallel_loop3A_389, %parallel_loop3A_390, %parallel_loop3A_391] {strides = array<i32>} : memref<4x128x64xf32, #tpu.memory_space<vmem>>, vector<1x1x16xf32>,
        %parallel_loop3A_393 = vector.shape_cast %parallel_loop3A_392 : vector<1x1x16xf32> to vector<16xf32>
        %parallel_loop3A_394 = arith.addi %rem3A_283, %parallel_loop3A_387 : i32
        %parallel_loop3A_395 = arith.index_cast %parallel_loop3A_394 : i32 to index
        %parallel_loop3A_396 = arith.constant 0 : index
        %parallel_loop3A_397 = tpu.vector_load %arg6[%parallel_loop3A_395, %parallel_loop3A_396] {strides = array<i32>} : memref<320x64xf32, #tpu.memory_space<vmem>>, vector<1x16xf32>,
        %parallel_loop3A_398 = vector.shape_cast %parallel_loop3A_397 : vector<1x16xf32> to vector<16xf32>
        %parallel_loop3A_399 = arith.addf %parallel_loop3A_393, %parallel_loop3A_398 : vector<16xf32>
        %parallel_loop3A_400 = arith.constant 2 : i32
        %parallel_loop3A_401 = arith.index_cast %parallel_loop3A_400 : i32 to index
        %parallel_loop3A_402 = arith.index_cast %parallel_loop3A_387 : i32 to index
        %parallel_loop3A_403 = arith.constant 0 : index
        %parallel_loop3A_404 = tpu.vector_load %arg9[%parallel_loop3A_401, %parallel_loop3A_402, %parallel_loop3A_403] {strides = array<i32>} : memref<4x128x64xf32, #tpu.memory_space<vmem>>, vector<1x1x16xf32>,
        %parallel_loop3A_405 = vector.shape_cast %parallel_loop3A_404 : vector<1x1x16xf32> to vector<16xf32>
        %parallel_loop3A_406 = vector.shape_cast %parallel_loop3A_399 : vector<16xf32> to vector<1x1x16xf32>
        tpu.vector_store %arg9[%parallel_loop3A_401, %parallel_loop3A_402, %parallel_loop3A_403], %parallel_loop3A_406 {strides = array<i32>} : memref<4x128x64xf32, #tpu.memory_space<vmem>>, vector<1x1x16xf32>,
        %parallel_loop3A_407 = arith.constant 2 : i32
        %parallel_loop3A_408 = arith.index_cast %parallel_loop3A_407 : i32 to index
        %parallel_loop3A_409 = arith.index_cast %parallel_loop3A_387 : i32 to index
        %parallel_loop3A_410 = arith.constant 16 : index
        %parallel_loop3A_411 = tpu.vector_load %arg8[%parallel_loop3A_408, %parallel_loop3A_409, %parallel_loop3A_410] {strides = array<i32>} : memref<4x128x64xf32, #tpu.memory_space<vmem>>, vector<1x1x16xf32>,
        %parallel_loop3A_412 = vector.shape_cast %parallel_loop3A_411 : vector<1x1x16xf32> to vector<16xf32>
        %parallel_loop3A_413 = arith.addi %rem3A_283, %parallel_loop3A_387 : i32
        %parallel_loop3A_414 = arith.index_cast %parallel_loop3A_413 : i32 to index
        %parallel_loop3A_415 = arith.constant 16 : index
        %parallel_loop3A_416 = tpu.vector_load %arg6[%parallel_loop3A_414, %parallel_loop3A_415] {strides = array<i32>} : memref<320x64xf32, #tpu.memory_space<vmem>>, vector<1x16xf32>,
        %parallel_loop3A_417 = vector.shape_cast %parallel_loop3A_416 : vector<1x16xf32> to vector<16xf32>
        %parallel_loop3A_418 = arith.addf %parallel_loop3A_412, %parallel_loop3A_417 : vector<16xf32>
        %parallel_loop3A_419 = arith.constant 2 : i32
        %parallel_loop3A_420 = arith.index_cast %parallel_loop3A_419 : i32 to index
        %parallel_loop3A_421 = arith.index_cast %parallel_loop3A_387 : i32 to index
        %parallel_loop3A_422 = arith.constant 16 : index
        %parallel_loop3A_423 = tpu.vector_load %arg9[%parallel_loop3A_420, %parallel_loop3A_421, %parallel_loop3A_422] {strides = array<i32>} : memref<4x128x64xf32, #tpu.memory_space<vmem>>, vector<1x1x16xf32>,
        %parallel_loop3A_424 = vector.shape_cast %parallel_loop3A_423 : vector<1x1x16xf32> to vector<16xf32>
        %parallel_loop3A_425 = vector.shape_cast %parallel_loop3A_418 : vector<16xf32> to vector<1x1x16xf32>
        tpu.vector_store %arg9[%parallel_loop3A_420, %parallel_loop3A_421, %parallel_loop3A_422], %parallel_loop3A_425 {strides = array<i32>} : memref<4x128x64xf32, #tpu.memory_space<vmem>>, vector<1x1x16xf32>,
        %parallel_loop3A_426 = arith.constant 2 : i32
        %parallel_loop3A_427 = arith.index_cast %parallel_loop3A_426 : i32 to index
        %parallel_loop3A_428 = arith.index_cast %parallel_loop3A_387 : i32 to index
        %parallel_loop3A_429 = arith.constant 32 : index
        %parallel_loop3A_430 = tpu.vector_load %arg8[%parallel_loop3A_427, %parallel_loop3A_428, %parallel_loop3A_429] {strides = array<i32>} : memref<4x128x64xf32, #tpu.memory_space<vmem>>, vector<1x1x16xf32>,
        %parallel_loop3A_431 = vector.shape_cast %parallel_loop3A_430 : vector<1x1x16xf32> to vector<16xf32>
        %parallel_loop3A_432 = arith.addi %rem3A_283, %parallel_loop3A_387 : i32
        %parallel_loop3A_433 = arith.index_cast %parallel_loop3A_432 : i32 to index
        %parallel_loop3A_434 = arith.constant 32 : index
        %parallel_loop3A_435 = tpu.vector_load %arg6[%parallel_loop3A_433, %parallel_loop3A_434] {strides = array<i32>} : memref<320x64xf32, #tpu.memory_space<vmem>>, vector<1x16xf32>,
        %parallel_loop3A_436 = vector.shape_cast %parallel_loop3A_435 : vector<1x16xf32> to vector<16xf32>
        %parallel_loop3A_437 = arith.addf %parallel_loop3A_431, %parallel_loop3A_436 : vector<16xf32>
        %parallel_loop3A_438 = arith.constant 2 : i32
        %parallel_loop3A_439 = arith.index_cast %parallel_loop3A_438 : i32 to index
        %parallel_loop3A_440 = arith.index_cast %parallel_loop3A_387 : i32 to index
        %parallel_loop3A_441 = arith.constant 32 : index
        %parallel_loop3A_442 = tpu.vector_load %arg9[%parallel_loop3A_439, %parallel_loop3A_440, %parallel_loop3A_441] {strides = array<i32>} : memref<4x128x64xf32, #tpu.memory_space<vmem>>, vector<1x1x16xf32>,
        %parallel_loop3A_443 = vector.shape_cast %parallel_loop3A_442 : vector<1x1x16xf32> to vector<16xf32>
        %parallel_loop3A_444 = vector.shape_cast %parallel_loop3A_437 : vector<16xf32> to vector<1x1x16xf32>
        tpu.vector_store %arg9[%parallel_loop3A_439, %parallel_loop3A_440, %parallel_loop3A_441], %parallel_loop3A_444 {strides = array<i32>} : memref<4x128x64xf32, #tpu.memory_space<vmem>>, vector<1x1x16xf32>,
        %parallel_loop3A_445 = arith.constant 2 : i32
        %parallel_loop3A_446 = arith.index_cast %parallel_loop3A_445 : i32 to index
        %parallel_loop3A_447 = arith.index_cast %parallel_loop3A_387 : i32 to index
        %parallel_loop3A_448 = arith.constant 48 : index
        %parallel_loop3A_449 = tpu.vector_load %arg8[%parallel_loop3A_446, %parallel_loop3A_447, %parallel_loop3A_448] {strides = array<i32>} : memref<4x128x64xf32, #tpu.memory_space<vmem>>, vector<1x1x16xf32>,
        %parallel_loop3A_450 = vector.shape_cast %parallel_loop3A_449 : vector<1x1x16xf32> to vector<16xf32>
        %parallel_loop3A_451 = arith.addi %rem3A_283, %parallel_loop3A_387 : i32
        %parallel_loop3A_452 = arith.index_cast %parallel_loop3A_451 : i32 to index
        %parallel_loop3A_453 = arith.constant 48 : index
        %parallel_loop3A_454 = tpu.vector_load %arg6[%parallel_loop3A_452, %parallel_loop3A_453] {strides = array<i32>} : memref<320x64xf32, #tpu.memory_space<vmem>>, vector<1x16xf32>,
        %parallel_loop3A_455 = vector.shape_cast %parallel_loop3A_454 : vector<1x16xf32> to vector<16xf32>
        %parallel_loop3A_456 = arith.addf %parallel_loop3A_450, %parallel_loop3A_455 : vector<16xf32>
        %parallel_loop3A_457 = arith.constant 2 : i32
        %parallel_loop3A_458 = arith.index_cast %parallel_loop3A_457 : i32 to index
        %parallel_loop3A_459 = arith.index_cast %parallel_loop3A_387 : i32 to index
        %parallel_loop3A_460 = arith.constant 48 : index
        %parallel_loop3A_461 = tpu.vector_load %arg9[%parallel_loop3A_458, %parallel_loop3A_459, %parallel_loop3A_460] {strides = array<i32>} : memref<4x128x64xf32, #tpu.memory_space<vmem>>, vector<1x1x16xf32>,
        %parallel_loop3A_462 = vector.shape_cast %parallel_loop3A_461 : vector<1x1x16xf32> to vector<16xf32>
        %parallel_loop3A_463 = vector.shape_cast %parallel_loop3A_456 : vector<16xf32> to vector<1x1x16xf32>
        tpu.vector_store %arg9[%parallel_loop3A_458, %parallel_loop3A_459, %parallel_loop3A_460], %parallel_loop3A_463 {strides = array<i32>} : memref<4x128x64xf32, #tpu.memory_space<vmem>>, vector<1x1x16xf32>,
      } {sc.loop_unroll_factor = 8 : i64, sc.parallel_access}
      %add3A_292 = arith.constant 4 : i32
      %add3A_293 = arith.addi %add3A_266, %add3A_292 : i32
      %sub3A_294 = arith.constant 1 : i32
      %sub3A_295 = arith.subi %add3A_293, %sub3A_294 : i32
      %rem3A_296 = arith.constant 200 : i32
      %rem3A_297 = arith.remsi %sub3A_295, %rem3A_296 : i32
      %dma_start3A_298 = arith.constant 1 : i32
      %dma_start3A_299 = arith.constant 0 : i32
      %dma_start3A_300 = arith.constant 0 : i32
      %dma_start3A_301 = tpu.memref_slice %arg8[%dma_start3A_298, %dma_start3A_299, %dma_start3A_300] : memref<4x128x64xf32, #tpu.memory_space<vmem>> -> memref<1x128x64xf32, #tpu.memory_space<vmem>>
      %dma_start3A_302 = tpu.memref_squeeze %dma_start3A_301 : memref<1x128x64xf32, #tpu.memory_space<vmem>> -> memref<128x64xf32, #tpu.memory_space<vmem>>
      %dma_start3A_303 = arith.constant 0 : i32
      %dma_start3A_304 = tpu.memref_slice %arg7[%rem3A_297, %dma_start3A_303] : memref<200x128xi32, #tpu.memory_space<vmem>> -> memref<1x128xi32, #tpu.memory_space<vmem>>
      %dma_start3A_305 = tpu.memref_squeeze %dma_start3A_304 : memref<1x128xi32, #tpu.memory_space<vmem>> -> memref<128xi32, #tpu.memory_space<vmem>>
      %dma_start3A_306 = arith.constant 0 : i32
      %dma_start3A_307 = arith.constant 0 : i32
      %dma_start3A_308 = tpu.memref_slice %arg2[%dma_start3A_306, %dma_start3A_307] : memref<100000x64xf32, #tpu.memory_space<hbm>> -> memref<100000x64xf32, #tpu.memory_space<hbm>>
      tpu.enqueue_indirect_dma source(%dma_start3A_308 : memref<100000x64xf32, #tpu.memory_space<hbm>>) target(%dma_start3A_302 : memref<128x64xf32, #tpu.memory_space<vmem>>) offsets(%dma_start3A_305 : memref<128xi32, #tpu.memory_space<vmem>>) semaphore(%arg11 : memref<!tpu.dma_semaphore, #tpu.memory_space<semaphore_mem>>)
      %add3A_309 = arith.addi %mul3A_2, %add3A_266 : i32
      %mul3A_310 = arith.constant 128 : i32
      %mul3A_311 = arith.muli %add3A_309, %mul3A_310 : i32
      %dma_start3A_312 = arith.constant 2 : i32
      %dma_start3A_313 = arith.constant 0 : i32
      %dma_start3A_314 = arith.constant 0 : i32
      %dma_start3A_315 = tpu.memref_slice %arg9[%dma_start3A_312, %dma_start3A_313, %dma_start3A_314] : memref<4x128x64xf32, #tpu.memory_space<vmem>> -> memref<1x128x64xf32, #tpu.memory_space<vmem>>
      %dma_start3A_316 = tpu.memref_squeeze %dma_start3A_315 : memref<1x128x64xf32, #tpu.memory_space<vmem>> -> memref<128x64xf32, #tpu.memory_space<vmem>>
      %dma_start3A_317 = arith.constant 0 : i32
      %dma_start3A_318 = tpu.memref_slice %arg5[%mul3A_311, %dma_start3A_317] : memref<819200x128xf32, #tpu.memory_space<hbm>> -> memref<128x64xf32, #tpu.memory_space<hbm>>
      %dma_start3A_319 = arith.constant 0 : i32
      %dma_start3A_320 = tpu.memref_slice %arg5[%mul3A_311, %dma_start3A_319] : memref<819200x128xf32, #tpu.memory_space<hbm>> -> memref<128x64xf32, #tpu.memory_space<hbm>>
      %dma_start3A_321 = arith.constant 0 : i32
      %dma_start3A_322 = arith.constant 0 : i32
      %dma_start3A_323 = tpu.memref_slice %arg9[%dma_start3A_312, %dma_start3A_321, %dma_start3A_322] : memref<4x128x64xf32, #tpu.memory_space<vmem>> -> memref<1x128x64xf32, #tpu.memory_space<vmem>>
      %dma_start3A_324 = tpu.memref_squeeze %dma_start3A_323 : memref<1x128x64xf32, #tpu.memory_space<vmem>> -> memref<128x64xf32, #tpu.memory_space<vmem>>
      tpu.enqueue_dma source(%dma_start3A_324 : memref<128x64xf32, #tpu.memory_space<vmem>>) target(%dma_start3A_320 : memref<128x64xf32, #tpu.memory_space<hbm>>) target_semaphore(%arg16 : memref<!tpu.dma_semaphore, #tpu.memory_space<semaphore_mem>>)
      %mul3A_325 = arith.constant 4 : i32
      %mul3A_326 = arith.muli %scan3A_143, %mul3A_325 : i32
      %add3A_327 = arith.constant 3 : i32
      %add3A_328 = arith.addi %mul3A_326, %add3A_327 : i32
      %dma_wait3A_329 = arith.constant 0 : i32
      %dma_wait3A_330 = arith.constant 3 : i32
      %dma_wait3A_331 = arith.constant 0 : i32
      %dma_wait3A_332 = arith.constant 0 : i32
      %dma_wait3A_333 = tpu.memref_slice %arg8[%dma_wait3A_330, %dma_wait3A_331, %dma_wait3A_332] : memref<4x128x64xf32, #tpu.memory_space<vmem>> -> memref<1x128x64xf32, #tpu.memory_space<vmem>>
      %dma_wait3A_334 = tpu.memref_squeeze %dma_wait3A_333 : memref<1x128x64xf32, #tpu.memory_space<vmem>> -> memref<128x64xf32, #tpu.memory_space<vmem>>
      %dma_wait3A_335 = arith.constant 0 : i32
      %dma_wait3A_336 = tpu.memref_slice %arg7[%dma_wait3A_329, %dma_wait3A_335] : memref<200x128xi32, #tpu.memory_space<vmem>> -> memref<1x128xi32, #tpu.memory_space<vmem>>
      %dma_wait3A_337 = tpu.memref_squeeze %dma_wait3A_336 : memref<1x128xi32, #tpu.memory_space<vmem>> -> memref<128xi32, #tpu.memory_space<vmem>>
      %dma_wait3A_338 = arith.constant 0 : i32
      %dma_wait3A_339 = arith.constant 0 : i32
      %dma_wait3A_340 = tpu.memref_slice %arg2[%dma_wait3A_338, %dma_wait3A_339] : memref<100000x64xf32, #tpu.memory_space<hbm>> -> memref<100000x64xf32, #tpu.memory_space<hbm>>
      tpu.wait_indirect_dma semaphore(%arg13 : memref<!tpu.dma_semaphore, #tpu.memory_space<semaphore_mem>>) src(%dma_wait3A_340 : memref<100000x64xf32, #tpu.memory_space<hbm>>) dst(%dma_wait3A_334 : memref<128x64xf32, #tpu.memory_space<vmem>>)
      %add3A_341 = arith.addi %mul3A_2, %add3A_328 : i32
      %mul3A_342 = arith.constant 128 : i32
      %mul3A_343 = arith.muli %add3A_341, %mul3A_342 : i32
      %rem3A_344 = arith.constant 200 : i32
      %rem3A_345 = arith.remsi %mul3A_343, %rem3A_344 : i32
      %gt3A_346 = arith.constant 0 : i32
      %gt3A_347 = arith.cmpi sgt, %scan3A_143, %gt3A_346 : i32
      %convert_element_type3A_348 = arith.extui %gt3A_347 : i1 to i32
      %cond3A_349 = arith.constant 0 : i32
      %cond3A_350 = arith.cmpi ne, %convert_element_type3A_348, %cond3A_349 : i32
      scf.if %cond3A_350 {
        %dma_wait3A_387 = arith.constant 3 : i32
        %dma_wait3A_388 = arith.constant 0 : i32
        %dma_wait3A_389 = arith.constant 0 : i32
        %dma_wait3A_390 = tpu.memref_slice %arg9[%dma_wait3A_387, %dma_wait3A_388, %dma_wait3A_389] : memref<4x128x64xf32, #tpu.memory_space<vmem>> -> memref<1x128x64xf32, #tpu.memory_space<vmem>>
        %dma_wait3A_391 = tpu.memref_squeeze %dma_wait3A_390 : memref<1x128x64xf32, #tpu.memory_space<vmem>> -> memref<128x64xf32, #tpu.memory_space<vmem>>
        %dma_wait3A_392 = arith.constant 0 : i32
        %dma_wait3A_393 = arith.constant 0 : i32
        %dma_wait3A_394 = tpu.memref_slice %arg5[%dma_wait3A_392, %dma_wait3A_393] : memref<819200x128xf32, #tpu.memory_space<hbm>> -> memref<128x64xf32, #tpu.memory_space<hbm>>
        %dma_wait3A_395 = arith.constant 0 : i32
        %dma_wait3A_396 = arith.constant 0 : i32
        %dma_wait3A_397 = tpu.memref_slice %arg5[%dma_wait3A_395, %dma_wait3A_396] : memref<819200x128xf32, #tpu.memory_space<hbm>> -> memref<128x64xf32, #tpu.memory_space<hbm>>
        %dma_wait3A_398 = arith.constant 0 : i32
        %dma_wait3A_399 = arith.constant 0 : i32
        %dma_wait3A_400 = tpu.memref_slice %arg9[%dma_wait3A_387, %dma_wait3A_398, %dma_wait3A_399] : memref<4x128x64xf32, #tpu.memory_space<vmem>> -> memref<1x128x64xf32, #tpu.memory_space<vmem>>
        %dma_wait3A_401 = tpu.memref_squeeze %dma_wait3A_400 : memref<1x128x64xf32, #tpu.memory_space<vmem>> -> memref<128x64xf32, #tpu.memory_space<vmem>>
        tpu.wait_dma2 semaphore(%arg17 : memref<!tpu.dma_semaphore, #tpu.memory_space<semaphore_mem>>) src(%dma_wait3A_401 : memref<128x64xf32, #tpu.memory_space<vmem>>) dst(%dma_wait3A_397 : memref<128x64xf32, #tpu.memory_space<hbm>>)
      } else {
      }
      %parallel_loop3A_351 = arith.constant 0 : i32
      %parallel_loop3A_352 = arith.constant 128 : i32
      %parallel_loop3A_353 = arith.constant 1 : i32
      scf.for %parallel_loop3A_387 = %parallel_loop3A_351 to %parallel_loop3A_352 step %parallel_loop3A_353  : i32 {
        %parallel_loop3A_388 = arith.constant 3 : i32
        %parallel_loop3A_389 = arith.index_cast %parallel_loop3A_388 : i32 to index
        %parallel_loop3A_390 = arith.index_cast %parallel_loop3A_387 : i32 to index
        %parallel_loop3A_391 = arith.constant 0 : index
        %parallel_loop3A_392 = tpu.vector_load %arg8[%parallel_loop3A_389, %parallel_loop3A_390, %parallel_loop3A_391] {strides = array<i32>} : memref<4x128x64xf32, #tpu.memory_space<vmem>>, vector<1x1x16xf32>,
        %parallel_loop3A_393 = vector.shape_cast %parallel_loop3A_392 : vector<1x1x16xf32> to vector<16xf32>
        %parallel_loop3A_394 = arith.addi %rem3A_345, %parallel_loop3A_387 : i32
        %parallel_loop3A_395 = arith.index_cast %parallel_loop3A_394 : i32 to index
        %parallel_loop3A_396 = arith.constant 0 : index
        %parallel_loop3A_397 = tpu.vector_load %arg6[%parallel_loop3A_395, %parallel_loop3A_396] {strides = array<i32>} : memref<320x64xf32, #tpu.memory_space<vmem>>, vector<1x16xf32>,
        %parallel_loop3A_398 = vector.shape_cast %parallel_loop3A_397 : vector<1x16xf32> to vector<16xf32>
        %parallel_loop3A_399 = arith.addf %parallel_loop3A_393, %parallel_loop3A_398 : vector<16xf32>
        %parallel_loop3A_400 = arith.constant 3 : i32
        %parallel_loop3A_401 = arith.index_cast %parallel_loop3A_400 : i32 to index
        %parallel_loop3A_402 = arith.index_cast %parallel_loop3A_387 : i32 to index
        %parallel_loop3A_403 = arith.constant 0 : index
        %parallel_loop3A_404 = tpu.vector_load %arg9[%parallel_loop3A_401, %parallel_loop3A_402, %parallel_loop3A_403] {strides = array<i32>} : memref<4x128x64xf32, #tpu.memory_space<vmem>>, vector<1x1x16xf32>,
        %parallel_loop3A_405 = vector.shape_cast %parallel_loop3A_404 : vector<1x1x16xf32> to vector<16xf32>
        %parallel_loop3A_406 = vector.shape_cast %parallel_loop3A_399 : vector<16xf32> to vector<1x1x16xf32>
        tpu.vector_store %arg9[%parallel_loop3A_401, %parallel_loop3A_402, %parallel_loop3A_403], %parallel_loop3A_406 {strides = array<i32>} : memref<4x128x64xf32, #tpu.memory_space<vmem>>, vector<1x1x16xf32>,
        %parallel_loop3A_407 = arith.constant 3 : i32
        %parallel_loop3A_408 = arith.index_cast %parallel_loop3A_407 : i32 to index
        %parallel_loop3A_409 = arith.index_cast %parallel_loop3A_387 : i32 to index
        %parallel_loop3A_410 = arith.constant 16 : index
        %parallel_loop3A_411 = tpu.vector_load %arg8[%parallel_loop3A_408, %parallel_loop3A_409, %parallel_loop3A_410] {strides = array<i32>} : memref<4x128x64xf32, #tpu.memory_space<vmem>>, vector<1x1x16xf32>,
        %parallel_loop3A_412 = vector.shape_cast %parallel_loop3A_411 : vector<1x1x16xf32> to vector<16xf32>
        %parallel_loop3A_413 = arith.addi %rem3A_345, %parallel_loop3A_387 : i32
        %parallel_loop3A_414 = arith.index_cast %parallel_loop3A_413 : i32 to index
        %parallel_loop3A_415 = arith.constant 16 : index
        %parallel_loop3A_416 = tpu.vector_load %arg6[%parallel_loop3A_414, %parallel_loop3A_415] {strides = array<i32>} : memref<320x64xf32, #tpu.memory_space<vmem>>, vector<1x16xf32>,
        %parallel_loop3A_417 = vector.shape_cast %parallel_loop3A_416 : vector<1x16xf32> to vector<16xf32>
        %parallel_loop3A_418 = arith.addf %parallel_loop3A_412, %parallel_loop3A_417 : vector<16xf32>
        %parallel_loop3A_419 = arith.constant 3 : i32
        %parallel_loop3A_420 = arith.index_cast %parallel_loop3A_419 : i32 to index
        %parallel_loop3A_421 = arith.index_cast %parallel_loop3A_387 : i32 to index
        %parallel_loop3A_422 = arith.constant 16 : index
        %parallel_loop3A_423 = tpu.vector_load %arg9[%parallel_loop3A_420, %parallel_loop3A_421, %parallel_loop3A_422] {strides = array<i32>} : memref<4x128x64xf32, #tpu.memory_space<vmem>>, vector<1x1x16xf32>,
        %parallel_loop3A_424 = vector.shape_cast %parallel_loop3A_423 : vector<1x1x16xf32> to vector<16xf32>
        %parallel_loop3A_425 = vector.shape_cast %parallel_loop3A_418 : vector<16xf32> to vector<1x1x16xf32>
        tpu.vector_store %arg9[%parallel_loop3A_420, %parallel_loop3A_421, %parallel_loop3A_422], %parallel_loop3A_425 {strides = array<i32>} : memref<4x128x64xf32, #tpu.memory_space<vmem>>, vector<1x1x16xf32>,
        %parallel_loop3A_426 = arith.constant 3 : i32
        %parallel_loop3A_427 = arith.index_cast %parallel_loop3A_426 : i32 to index
        %parallel_loop3A_428 = arith.index_cast %parallel_loop3A_387 : i32 to index
        %parallel_loop3A_429 = arith.constant 32 : index
        %parallel_loop3A_430 = tpu.vector_load %arg8[%parallel_loop3A_427, %parallel_loop3A_428, %parallel_loop3A_429] {strides = array<i32>} : memref<4x128x64xf32, #tpu.memory_space<vmem>>, vector<1x1x16xf32>,
        %parallel_loop3A_431 = vector.shape_cast %parallel_loop3A_430 : vector<1x1x16xf32> to vector<16xf32>
        %parallel_loop3A_432 = arith.addi %rem3A_345, %parallel_loop3A_387 : i32
        %parallel_loop3A_433 = arith.index_cast %parallel_loop3A_432 : i32 to index
        %parallel_loop3A_434 = arith.constant 32 : index
        %parallel_loop3A_435 = tpu.vector_load %arg6[%parallel_loop3A_433, %parallel_loop3A_434] {strides = array<i32>} : memref<320x64xf32, #tpu.memory_space<vmem>>, vector<1x16xf32>,
        %parallel_loop3A_436 = vector.shape_cast %parallel_loop3A_435 : vector<1x16xf32> to vector<16xf32>
        %parallel_loop3A_437 = arith.addf %parallel_loop3A_431, %parallel_loop3A_436 : vector<16xf32>
        %parallel_loop3A_438 = arith.constant 3 : i32
        %parallel_loop3A_439 = arith.index_cast %parallel_loop3A_438 : i32 to index
        %parallel_loop3A_440 = arith.index_cast %parallel_loop3A_387 : i32 to index
        %parallel_loop3A_441 = arith.constant 32 : index
        %parallel_loop3A_442 = tpu.vector_load %arg9[%parallel_loop3A_439, %parallel_loop3A_440, %parallel_loop3A_441] {strides = array<i32>} : memref<4x128x64xf32, #tpu.memory_space<vmem>>, vector<1x1x16xf32>,
        %parallel_loop3A_443 = vector.shape_cast %parallel_loop3A_442 : vector<1x1x16xf32> to vector<16xf32>
        %parallel_loop3A_444 = vector.shape_cast %parallel_loop3A_437 : vector<16xf32> to vector<1x1x16xf32>
        tpu.vector_store %arg9[%parallel_loop3A_439, %parallel_loop3A_440, %parallel_loop3A_441], %parallel_loop3A_444 {strides = array<i32>} : memref<4x128x64xf32, #tpu.memory_space<vmem>>, vector<1x1x16xf32>,
        %parallel_loop3A_445 = arith.constant 3 : i32
        %parallel_loop3A_446 = arith.index_cast %parallel_loop3A_445 : i32 to index
        %parallel_loop3A_447 = arith.index_cast %parallel_loop3A_387 : i32 to index
        %parallel_loop3A_448 = arith.constant 48 : index
        %parallel_loop3A_449 = tpu.vector_load %arg8[%parallel_loop3A_446, %parallel_loop3A_447, %parallel_loop3A_448] {strides = array<i32>} : memref<4x128x64xf32, #tpu.memory_space<vmem>>, vector<1x1x16xf32>,
        %parallel_loop3A_450 = vector.shape_cast %parallel_loop3A_449 : vector<1x1x16xf32> to vector<16xf32>
        %parallel_loop3A_451 = arith.addi %rem3A_345, %parallel_loop3A_387 : i32
        %parallel_loop3A_452 = arith.index_cast %parallel_loop3A_451 : i32 to index
        %parallel_loop3A_453 = arith.constant 48 : index
        %parallel_loop3A_454 = tpu.vector_load %arg6[%parallel_loop3A_452, %parallel_loop3A_453] {strides = array<i32>} : memref<320x64xf32, #tpu.memory_space<vmem>>, vector<1x16xf32>,
        %parallel_loop3A_455 = vector.shape_cast %parallel_loop3A_454 : vector<1x16xf32> to vector<16xf32>
        %parallel_loop3A_456 = arith.addf %parallel_loop3A_450, %parallel_loop3A_455 : vector<16xf32>
        %parallel_loop3A_457 = arith.constant 3 : i32
        %parallel_loop3A_458 = arith.index_cast %parallel_loop3A_457 : i32 to index
        %parallel_loop3A_459 = arith.index_cast %parallel_loop3A_387 : i32 to index
        %parallel_loop3A_460 = arith.constant 48 : index
        %parallel_loop3A_461 = tpu.vector_load %arg9[%parallel_loop3A_458, %parallel_loop3A_459, %parallel_loop3A_460] {strides = array<i32>} : memref<4x128x64xf32, #tpu.memory_space<vmem>>, vector<1x1x16xf32>,
        %parallel_loop3A_462 = vector.shape_cast %parallel_loop3A_461 : vector<1x1x16xf32> to vector<16xf32>
        %parallel_loop3A_463 = vector.shape_cast %parallel_loop3A_456 : vector<16xf32> to vector<1x1x16xf32>
        tpu.vector_store %arg9[%parallel_loop3A_458, %parallel_loop3A_459, %parallel_loop3A_460], %parallel_loop3A_463 {strides = array<i32>} : memref<4x128x64xf32, #tpu.memory_space<vmem>>, vector<1x1x16xf32>,
      } {sc.loop_unroll_factor = 8 : i64, sc.parallel_access}
      %add3A_354 = arith.constant 4 : i32
      %add3A_355 = arith.addi %add3A_328, %add3A_354 : i32
      %sub3A_356 = arith.constant 1 : i32
      %sub3A_357 = arith.subi %add3A_355, %sub3A_356 : i32
      %rem3A_358 = arith.constant 200 : i32
      %rem3A_359 = arith.remsi %sub3A_357, %rem3A_358 : i32
      %dma_start3A_360 = arith.constant 2 : i32
      %dma_start3A_361 = arith.constant 0 : i32
      %dma_start3A_362 = arith.constant 0 : i32
      %dma_start3A_363 = tpu.memref_slice %arg8[%dma_start3A_360, %dma_start3A_361, %dma_start3A_362] : memref<4x128x64xf32, #tpu.memory_space<vmem>> -> memref<1x128x64xf32, #tpu.memory_space<vmem>>
      %dma_start3A_364 = tpu.memref_squeeze %dma_start3A_363 : memref<1x128x64xf32, #tpu.memory_space<vmem>> -> memref<128x64xf32, #tpu.memory_space<vmem>>
      %dma_start3A_365 = arith.constant 0 : i32
      %dma_start3A_366 = tpu.memref_slice %arg7[%rem3A_359, %dma_start3A_365] : memref<200x128xi32, #tpu.memory_space<vmem>> -> memref<1x128xi32, #tpu.memory_space<vmem>>
      %dma_start3A_367 = tpu.memref_squeeze %dma_start3A_366 : memref<1x128xi32, #tpu.memory_space<vmem>> -> memref<128xi32, #tpu.memory_space<vmem>>
      %dma_start3A_368 = arith.constant 0 : i32
      %dma_start3A_369 = arith.constant 0 : i32
      %dma_start3A_370 = tpu.memref_slice %arg2[%dma_start3A_368, %dma_start3A_369] : memref<100000x64xf32, #tpu.memory_space<hbm>> -> memref<100000x64xf32, #tpu.memory_space<hbm>>
      tpu.enqueue_indirect_dma source(%dma_start3A_370 : memref<100000x64xf32, #tpu.memory_space<hbm>>) target(%dma_start3A_364 : memref<128x64xf32, #tpu.memory_space<vmem>>) offsets(%dma_start3A_367 : memref<128xi32, #tpu.memory_space<vmem>>) semaphore(%arg12 : memref<!tpu.dma_semaphore, #tpu.memory_space<semaphore_mem>>)
      %add3A_371 = arith.addi %mul3A_2, %add3A_328 : i32
      %mul3A_372 = arith.constant 128 : i32
      %mul3A_373 = arith.muli %add3A_371, %mul3A_372 : i32
      %dma_start3A_374 = arith.constant 3 : i32
      %dma_start3A_375 = arith.constant 0 : i32
      %dma_start3A_376 = arith.constant 0 : i32
      %dma_start3A_377 = tpu.memref_slice %arg9[%dma_start3A_374, %dma_start3A_375, %dma_start3A_376] : memref<4x128x64xf32, #tpu.memory_space<vmem>> -> memref<1x128x64xf32, #tpu.memory_space<vmem>>
      %dma_start3A_378 = tpu.memref_squeeze %dma_start3A_377 : memref<1x128x64xf32, #tpu.memory_space<vmem>> -> memref<128x64xf32, #tpu.memory_space<vmem>>
      %dma_start3A_379 = arith.constant 0 : i32
      %dma_start3A_380 = tpu.memref_slice %arg5[%mul3A_373, %dma_start3A_379] : memref<819200x128xf32, #tpu.memory_space<hbm>> -> memref<128x64xf32, #tpu.memory_space<hbm>>
      %dma_start3A_381 = arith.constant 0 : i32
      %dma_start3A_382 = tpu.memref_slice %arg5[%mul3A_373, %dma_start3A_381] : memref<819200x128xf32, #tpu.memory_space<hbm>> -> memref<128x64xf32, #tpu.memory_space<hbm>>
      %dma_start3A_383 = arith.constant 0 : i32
      %dma_start3A_384 = arith.constant 0 : i32
      %dma_start3A_385 = tpu.memref_slice %arg9[%dma_start3A_374, %dma_start3A_383, %dma_start3A_384] : memref<4x128x64xf32, #tpu.memory_space<vmem>> -> memref<1x128x64xf32, #tpu.memory_space<vmem>>
      %dma_start3A_386 = tpu.memref_squeeze %dma_start3A_385 : memref<1x128x64xf32, #tpu.memory_space<vmem>> -> memref<128x64xf32, #tpu.memory_space<vmem>>
      tpu.enqueue_dma source(%dma_start3A_386 : memref<128x64xf32, #tpu.memory_space<vmem>>) target(%dma_start3A_382 : memref<128x64xf32, #tpu.memory_space<hbm>>) target_semaphore(%arg17 : memref<!tpu.dma_semaphore, #tpu.memory_space<semaphore_mem>>)
    }
    %scan3A_47 = arith.constant 50 : i32
    %dma_wait3A = arith.constant 0 : i32
    %dma_wait3A_48 = arith.constant 0 : i32
    %dma_wait3A_49 = arith.constant 0 : i32
    %dma_wait3A_50 = tpu.memref_slice %arg9[%dma_wait3A, %dma_wait3A_48, %dma_wait3A_49] : memref<4x128x64xf32, #tpu.memory_space<vmem>> -> memref<1x128x64xf32, #tpu.memory_space<vmem>>
    %dma_wait3A_51 = tpu.memref_squeeze %dma_wait3A_50 : memref<1x128x64xf32, #tpu.memory_space<vmem>> -> memref<128x64xf32, #tpu.memory_space<vmem>>
    %dma_wait3A_52 = arith.constant 0 : i32
    %dma_wait3A_53 = arith.constant 0 : i32
    %dma_wait3A_54 = tpu.memref_slice %arg5[%dma_wait3A_52, %dma_wait3A_53] : memref<819200x128xf32, #tpu.memory_space<hbm>> -> memref<128x64xf32, #tpu.memory_space<hbm>>
    %dma_wait3A_55 = arith.constant 0 : i32
    %dma_wait3A_56 = arith.constant 0 : i32
    %dma_wait3A_57 = tpu.memref_slice %arg5[%dma_wait3A_55, %dma_wait3A_56] : memref<819200x128xf32, #tpu.memory_space<hbm>> -> memref<128x64xf32, #tpu.memory_space<hbm>>
    %dma_wait3A_58 = arith.constant 0 : i32
    %dma_wait3A_59 = arith.constant 0 : i32
    %dma_wait3A_60 = tpu.memref_slice %arg9[%dma_wait3A, %dma_wait3A_58, %dma_wait3A_59] : memref<4x128x64xf32, #tpu.memory_space<vmem>> -> memref<1x128x64xf32, #tpu.memory_space<vmem>>
    %dma_wait3A_61 = tpu.memref_squeeze %dma_wait3A_60 : memref<1x128x64xf32, #tpu.memory_space<vmem>> -> memref<128x64xf32, #tpu.memory_space<vmem>>
    tpu.wait_dma2 semaphore(%arg14 : memref<!tpu.dma_semaphore, #tpu.memory_space<semaphore_mem>>) src(%dma_wait3A_61 : memref<128x64xf32, #tpu.memory_space<vmem>>) dst(%dma_wait3A_57 : memref<128x64xf32, #tpu.memory_space<hbm>>)
    %dma_wait3A_62 = arith.constant 1 : i32
    %dma_wait3A_63 = arith.constant 0 : i32
    %dma_wait3A_64 = arith.constant 0 : i32
    %dma_wait3A_65 = tpu.memref_slice %arg9[%dma_wait3A_62, %dma_wait3A_63, %dma_wait3A_64] : memref<4x128x64xf32, #tpu.memory_space<vmem>> -> memref<1x128x64xf32, #tpu.memory_space<vmem>>
    %dma_wait3A_66 = tpu.memref_squeeze %dma_wait3A_65 : memref<1x128x64xf32, #tpu.memory_space<vmem>> -> memref<128x64xf32, #tpu.memory_space<vmem>>
    %dma_wait3A_67 = arith.constant 0 : i32
    %dma_wait3A_68 = arith.constant 0 : i32
    %dma_wait3A_69 = tpu.memref_slice %arg5[%dma_wait3A_67, %dma_wait3A_68] : memref<819200x128xf32, #tpu.memory_space<hbm>> -> memref<128x64xf32, #tpu.memory_space<hbm>>
    %dma_wait3A_70 = arith.constant 0 : i32
    %dma_wait3A_71 = arith.constant 0 : i32
    %dma_wait3A_72 = tpu.memref_slice %arg5[%dma_wait3A_70, %dma_wait3A_71] : memref<819200x128xf32, #tpu.memory_space<hbm>> -> memref<128x64xf32, #tpu.memory_space<hbm>>
    %dma_wait3A_73 = arith.constant 0 : i32
    %dma_wait3A_74 = arith.constant 0 : i32
    %dma_wait3A_75 = tpu.memref_slice %arg9[%dma_wait3A_62, %dma_wait3A_73, %dma_wait3A_74] : memref<4x128x64xf32, #tpu.memory_space<vmem>> -> memref<1x128x64xf32, #tpu.memory_space<vmem>>
    %dma_wait3A_76 = tpu.memref_squeeze %dma_wait3A_75 : memref<1x128x64xf32, #tpu.memory_space<vmem>> -> memref<128x64xf32, #tpu.memory_space<vmem>>
    tpu.wait_dma2 semaphore(%arg15 : memref<!tpu.dma_semaphore, #tpu.memory_space<semaphore_mem>>) src(%dma_wait3A_76 : memref<128x64xf32, #tpu.memory_space<vmem>>) dst(%dma_wait3A_72 : memref<128x64xf32, #tpu.memory_space<hbm>>)
    %dma_wait3A_77 = arith.constant 2 : i32
    %dma_wait3A_78 = arith.constant 0 : i32
    %dma_wait3A_79 = arith.constant 0 : i32
    %dma_wait3A_80 = tpu.memref_slice %arg9[%dma_wait3A_77, %dma_wait3A_78, %dma_wait3A_79] : memref<4x128x64xf32, #tpu.memory_space<vmem>> -> memref<1x128x64xf32, #tpu.memory_space<vmem>>
    %dma_wait3A_81 = tpu.memref_squeeze %dma_wait3A_80 : memref<1x128x64xf32, #tpu.memory_space<vmem>> -> memref<128x64xf32, #tpu.memory_space<vmem>>
    %dma_wait3A_82 = arith.constant 0 : i32
    %dma_wait3A_83 = arith.constant 0 : i32
    %dma_wait3A_84 = tpu.memref_slice %arg5[%dma_wait3A_82, %dma_wait3A_83] : memref<819200x128xf32, #tpu.memory_space<hbm>> -> memref<128x64xf32, #tpu.memory_space<hbm>>
    %dma_wait3A_85 = arith.constant 0 : i32
    %dma_wait3A_86 = arith.constant 0 : i32
    %dma_wait3A_87 = tpu.memref_slice %arg5[%dma_wait3A_85, %dma_wait3A_86] : memref<819200x128xf32, #tpu.memory_space<hbm>> -> memref<128x64xf32, #tpu.memory_space<hbm>>
    %dma_wait3A_88 = arith.constant 0 : i32
    %dma_wait3A_89 = arith.constant 0 : i32
    %dma_wait3A_90 = tpu.memref_slice %arg9[%dma_wait3A_77, %dma_wait3A_88, %dma_wait3A_89] : memref<4x128x64xf32, #tpu.memory_space<vmem>> -> memref<1x128x64xf32, #tpu.memory_space<vmem>>
    %dma_wait3A_91 = tpu.memref_squeeze %dma_wait3A_90 : memref<1x128x64xf32, #tpu.memory_space<vmem>> -> memref<128x64xf32, #tpu.memory_space<vmem>>
    tpu.wait_dma2 semaphore(%arg16 : memref<!tpu.dma_semaphore, #tpu.memory_space<semaphore_mem>>) src(%dma_wait3A_91 : memref<128x64xf32, #tpu.memory_space<vmem>>) dst(%dma_wait3A_87 : memref<128x64xf32, #tpu.memory_space<hbm>>)
    %dma_wait3A_92 = arith.constant 3 : i32
    %dma_wait3A_93 = arith.constant 0 : i32
    %dma_wait3A_94 = arith.constant 0 : i32
    %dma_wait3A_95 = tpu.memref_slice %arg9[%dma_wait3A_92, %dma_wait3A_93, %dma_wait3A_94] : memref<4x128x64xf32, #tpu.memory_space<vmem>> -> memref<1x128x64xf32, #tpu.memory_space<vmem>>
    %dma_wait3A_96 = tpu.memref_squeeze %dma_wait3A_95 : memref<1x128x64xf32, #tpu.memory_space<vmem>> -> memref<128x64xf32, #tpu.memory_space<vmem>>
    %dma_wait3A_97 = arith.constant 0 : i32
    %dma_wait3A_98 = arith.constant 0 : i32
    %dma_wait3A_99 = tpu.memref_slice %arg5[%dma_wait3A_97, %dma_wait3A_98] : memref<819200x128xf32, #tpu.memory_space<hbm>> -> memref<128x64xf32, #tpu.memory_space<hbm>>
    %dma_wait3A_100 = arith.constant 0 : i32
    %dma_wait3A_101 = arith.constant 0 : i32
    %dma_wait3A_102 = tpu.memref_slice %arg5[%dma_wait3A_100, %dma_wait3A_101] : memref<819200x128xf32, #tpu.memory_space<hbm>> -> memref<128x64xf32, #tpu.memory_space<hbm>>
    %dma_wait3A_103 = arith.constant 0 : i32
    %dma_wait3A_104 = arith.constant 0 : i32
    %dma_wait3A_105 = tpu.memref_slice %arg9[%dma_wait3A_92, %dma_wait3A_103, %dma_wait3A_104] : memref<4x128x64xf32, #tpu.memory_space<vmem>> -> memref<1x128x64xf32, #tpu.memory_space<vmem>>
    %dma_wait3A_106 = tpu.memref_squeeze %dma_wait3A_105 : memref<1x128x64xf32, #tpu.memory_space<vmem>> -> memref<128x64xf32, #tpu.memory_space<vmem>>
    tpu.wait_dma2 semaphore(%arg17 : memref<!tpu.dma_semaphore, #tpu.memory_space<semaphore_mem>>) src(%dma_wait3A_106 : memref<128x64xf32, #tpu.memory_space<vmem>>) dst(%dma_wait3A_102 : memref<128x64xf32, #tpu.memory_space<hbm>>)
    %dma_wait3A_107 = arith.constant 0 : i32
    %dma_wait3A_108 = arith.constant 0 : i32
    %dma_wait3A_109 = arith.constant 0 : i32
    %dma_wait3A_110 = arith.constant 0 : i32
    %dma_wait3A_111 = tpu.memref_slice %arg8[%dma_wait3A_108, %dma_wait3A_109, %dma_wait3A_110] : memref<4x128x64xf32, #tpu.memory_space<vmem>> -> memref<1x128x64xf32, #tpu.memory_space<vmem>>
    %dma_wait3A_112 = tpu.memref_squeeze %dma_wait3A_111 : memref<1x128x64xf32, #tpu.memory_space<vmem>> -> memref<128x64xf32, #tpu.memory_space<vmem>>
    %dma_wait3A_113 = arith.constant 0 : i32
    %dma_wait3A_114 = tpu.memref_slice %arg7[%dma_wait3A_107, %dma_wait3A_113] : memref<200x128xi32, #tpu.memory_space<vmem>> -> memref<1x128xi32, #tpu.memory_space<vmem>>
    %dma_wait3A_115 = tpu.memref_squeeze %dma_wait3A_114 : memref<1x128xi32, #tpu.memory_space<vmem>> -> memref<128xi32, #tpu.memory_space<vmem>>
    %dma_wait3A_116 = arith.constant 0 : i32
    %dma_wait3A_117 = arith.constant 0 : i32
    %dma_wait3A_118 = tpu.memref_slice %arg2[%dma_wait3A_116, %dma_wait3A_117] : memref<100000x64xf32, #tpu.memory_space<hbm>> -> memref<100000x64xf32, #tpu.memory_space<hbm>>
    tpu.wait_indirect_dma semaphore(%arg10 : memref<!tpu.dma_semaphore, #tpu.memory_space<semaphore_mem>>) src(%dma_wait3A_118 : memref<100000x64xf32, #tpu.memory_space<hbm>>) dst(%dma_wait3A_112 : memref<128x64xf32, #tpu.memory_space<vmem>>)
    %dma_wait3A_119 = arith.constant 0 : i32
    %dma_wait3A_120 = arith.constant 1 : i32
    %dma_wait3A_121 = arith.constant 0 : i32
    %dma_wait3A_122 = arith.constant 0 : i32
    %dma_wait3A_123 = tpu.memref_slice %arg8[%dma_wait3A_120, %dma_wait3A_121, %dma_wait3A_122] : memref<4x128x64xf32, #tpu.memory_space<vmem>> -> memref<1x128x64xf32, #tpu.memory_space<vmem>>
    %dma_wait3A_124 = tpu.memref_squeeze %dma_wait3A_123 : memref<1x128x64xf32, #tpu.memory_space<vmem>> -> memref<128x64xf32, #tpu.memory_space<vmem>>
    %dma_wait3A_125 = arith.constant 0 : i32
    %dma_wait3A_126 = tpu.memref_slice %arg7[%dma_wait3A_119, %dma_wait3A_125] : memref<200x128xi32, #tpu.memory_space<vmem>> -> memref<1x128xi32, #tpu.memory_space<vmem>>
    %dma_wait3A_127 = tpu.memref_squeeze %dma_wait3A_126 : memref<1x128xi32, #tpu.memory_space<vmem>> -> memref<128xi32, #tpu.memory_space<vmem>>
    %dma_wait3A_128 = arith.constant 0 : i32
    %dma_wait3A_129 = arith.constant 0 : i32
    %dma_wait3A_130 = tpu.memref_slice %arg2[%dma_wait3A_128, %dma_wait3A_129] : memref<100000x64xf32, #tpu.memory_space<hbm>> -> memref<100000x64xf32, #tpu.memory_space<hbm>>
    tpu.wait_indirect_dma semaphore(%arg11 : memref<!tpu.dma_semaphore, #tpu.memory_space<semaphore_mem>>) src(%dma_wait3A_130 : memref<100000x64xf32, #tpu.memory_space<hbm>>) dst(%dma_wait3A_124 : memref<128x64xf32, #tpu.memory_space<vmem>>)
    %dma_wait3A_131 = arith.constant 0 : i32
    %dma_wait3A_132 = arith.constant 2 : i32
    %dma_wait3A_133 = arith.constant 0 : i32
    %dma_wait3A_134 = arith.constant 0 : i32
    %dma_wait3A_135 = tpu.memref_slice %arg8[%dma_wait3A_132, %dma_wait3A_133, %dma_wait3A_134] : memref<4x128x64xf32, #tpu.memory_space<vmem>> -> memref<1x128x64xf32, #tpu.memory_space<vmem>>
    %dma_wait3A_136 = tpu.memref_squeeze %dma_wait3A_135 : memref<1x128x64xf32, #tpu.memory_space<vmem>> -> memref<128x64xf32, #tpu.memory_space<vmem>>
    %dma_wait3A_137 = arith.constant 0 : i32
    %dma_wait3A_138 = tpu.memref_slice %arg7[%dma_wait3A_131, %dma_wait3A_137] : memref<200x128xi32, #tpu.memory_space<vmem>> -> memref<1x128xi32, #tpu.memory_space<vmem>>
    %dma_wait3A_139 = tpu.memref_squeeze %dma_wait3A_138 : memref<1x128xi32, #tpu.memory_space<vmem>> -> memref<128xi32, #tpu.memory_space<vmem>>
    %dma_wait3A_140 = arith.constant 0 : i32
    %dma_wait3A_141 = arith.constant 0 : i32
    %dma_wait3A_142 = tpu.memref_slice %arg2[%dma_wait3A_140, %dma_wait3A_141] : memref<100000x64xf32, #tpu.memory_space<hbm>> -> memref<100000x64xf32, #tpu.memory_space<hbm>>
    tpu.wait_indirect_dma semaphore(%arg12 : memref<!tpu.dma_semaphore, #tpu.memory_space<semaphore_mem>>) src(%dma_wait3A_142 : memref<100000x64xf32, #tpu.memory_space<hbm>>) dst(%dma_wait3A_136 : memref<128x64xf32, #tpu.memory_space<vmem>>)
    return
  }
}

</mosaic_0001>

<sc_bundles>
// kernel: _run.3.cloned.1.call-start
scs
__scs_entry_jumppad:
0x0: {  	(pc) =	sbr.rel $0x88, $3  }
0x1: {  	(tag) =	ssettag $0x0;
	lr =	simm.s32 $0x1  }
0x2: {  	[smem:$0x3F9E] =	sst lr;
	_ =	strace $0xD0000000  }
0x3: {  	_ = 	snop  }
0x4: {  	_ = 	snop  }
0x5: {  	_ = 	snop  }
0x6: {  	_ = 	snop  }
0x7: {  	_ = 	snop  }
__scs_overlays_trampoline_lowered:
0x8: {  	[smem:$0x3FAD] =	sst s0  }
0x9: {  	[smem:$0x3FAE] =	sst s1  }
0xa: {  	[smem:$0x3FAF] =	sst s2  }
0xb: {  	[smem:$0x3FB0] =	sst s3  }
0xc: {  	[smem:$0x3FB1] =	sst s4  }
0xd: {  	[smem:$0x3FB2] =	sst s5  }
0xe: {  	[smem:$0x3FB3] =	sst s6  }
0xf: {  	[smem:$0x3FB4] =	sst s7  }
0x10: {  	[smem:$0x3FB5] =	sst s8  }
0x11: {  	[smem:$0x3FB6] =	sst s9;
	s0 =	simm.s32 @!p0 $0x0  }
0x12: {  	s1 =	sld [smem:$0x3F9C];
	s0 =	simm.s32 @p0 $0x1  }
0x13: {  	[smem:$0x3FB7] =	sst s0;
	s0 =	simm.s32 @!p1 $0x0  }
0x14: {  	s2 =	sld [smem:$0x3F9B];
	s0 =	simm.s32 @p1 $0x1  }
0x15: {  	[smem:$0x3FB8] =	sst s0;
	s0 =	simm.s32 @!p2 $0x0  }
0x16: {  	s3 =	sld [smem:$0x3FDB];
	s0 =	simm.s32 @p2 $0x1  }
0x17: {  	s4 =	simm.s32 $0x1BF5;
	[smem:$0x3FBA] =	sst s0  }
0x18: {  	s0 =	sld [smem:$0x3F9D];
	_ =	swait.ge [sflag:s4], $0x0  }
0x19: {  	s7 =	sld [smem:$0x3F9E]  }
0x1a: {  	s8 =	sadd.s32 $0xFFFFE003, lr  }
0x1b: {  	s9 =	sadd.s32 $0xFFFFFEF7, lr;
	s5 =	simm.s32 $0xFFFFFFFF;
	p2 =	slt.u32 s8, $0xFFFFF086  }
0x1c: {  	p1 =	slt.u32 s9, $0xF7A;
	s5 =	simm.s32 @!p2 $0x0  }
0x1d: {  	s5 =	simm.s32 @p1 $0x1;
	p0 =	seq.s32 s7, s2  }
0x1e: {  	s7 =	smul.u32 @!p0 $0xF7A, s2;
	p2 =	seq.s32 @!p0 s5, $0x0  }
0x1f: {  	s9 =	smul.u32 $0xF7A, s1;
	s8 =	simm.s32 @!p0 $0x1BF5;
	p2 =	por !p2, p0  }
0x20: {  	[sflag:s8] =	ssyncset.s32 @!p0 $0xFFFFF086;
	s6 =	sadd.s32 @!p0 s3, s7;
	s7 =	simm.s32 @!p0 $0x108  }
0x21: {  	s3 =	sadd.s32 s3, s9;
	s6 =	sadd.s32 @!p0 $0x88, s6;
	s7 =	simm.s32 @p2 $0x1082  }
0x22: {  	[simem:s7], [sflag:s8] =	dma.local @!p0 [hbm:s6], $0xF7A  }
0x23: {  	s9 =	sor.u32 $0xD0000000, s2;
	s6 =	simm.s32 $0x108;
	_ =	swait.ge @!p0 [sflag:s8], $0x0  }
0x24: {  	s3 =	sadd.s32 $0x88, s3;
	s6 =	simm.s32 @!p1 $0x1082;
	[sflag:s4] =	ssyncset.s32 $0xFFFFF086  }
0x25: {  	[simem:s6], [sflag:s4] =	dma.local [hbm:s3], $0xF7A  }
0x26: {  	[smem:$0x3F9E] =	sst s1;
	(tag) =	ssettag s2;
	_ =	strace s9  }
0x27: {  	s1 =	sld [smem:$0x3FAE]  }
0x28: {  	s2 =	sld [smem:$0x3FAF]  }
0x29: {  	s4 =	sld [smem:$0x3FB1]  }
0x2a: {  	p0 =	seq.s32 s5, $0x0;
	s5 =	sld [smem:$0x3FB2]  }
0x2b: {  	s6 =	sld [smem:$0x3FB3]  }
0x2c: {  	s7 =	sld [smem:$0x3FB4]  }
0x2d: {  	s3 =	simm.s32 $0x108;
	s8 =	sld [smem:$0x3FB5]  }
0x2e: {  	s3 =	simm.s32 @!p0 $0x1082;
	s9 =	sld [smem:$0x3FB6]  }
0x2f: {  	lr =	sadd.s32 s0, s3;
	s0 =	sld [smem:$0x3FAD]  }
0x30: {  	s3 =	sld [smem:$0x3FB0]  }
0x31: {  	[smem:$0x3FB9] =	sst s10  }
0x32: {  	s10 =	sld [smem:$0x3FB7];
	_ =	sdelay $0x3  }
0x33: {  	p0 =	seq.s32 s10, $0x1;
	s10 =	sld [smem:$0x3FB9];
	_ =	sdelay $0x3  }
0x34: {  	[smem:$0x3FB9] =	sst s10  }
0x35: {  	s10 =	sld [smem:$0x3FB8];
	_ =	sdelay $0x3  }
0x36: {  	p1 =	seq.s32 s10, $0x1;
	s10 =	sld [smem:$0x3FB9];
	_ =	sdelay $0x3  }
0x37: {  	[smem:$0x3FB9] =	sst s10  }
0x38: {  	s10 =	sld [smem:$0x3FBA]  }
0x39: {  	_ = 	snop;
	(pc) =	sbr.ind lr, $3  }
0x3a: {  	_ = 	snop  }
0x3b: {  	_ = 	snop  }
0x3c: {  	p2 =	seq.s32 s10, $0x1;
	s10 =	sld [smem:$0x3FB9]  }
0x3d: {  	_ =	shalt  }
0x3e: {  	_ =	shalt  }
0x3f: {  	_ =	shalt  }
0x40: {  	_ =	shalt  }
0x41: {  	_ =	shalt  }
0x42: {  	_ =	shalt  }
0x43: {  	_ =	shalt  }
0x44: {  	_ =	shalt  }
0x45: {  	_ =	shalt  }
0x46: {  	_ =	shalt  }
0x47: {  	_ =	shalt  }
0x48: {  	_ =	shalt  }
0x49: {  	_ =	shalt  }
0x4a: {  	_ =	shalt  }
0x4b: {  	_ =	shalt  }
0x4c: {  	_ =	shalt  }
0x4d: {  	_ =	shalt  }
0x4e: {  	_ =	shalt  }
0x4f: {  	_ =	shalt  }
0x50: {  	_ =	shalt  }
0x51: {  	_ =	shalt  }
0x52: {  	_ =	shalt  }
0x53: {  	_ =	shalt  }
0x54: {  	_ =	shalt  }
0x55: {  	_ =	shalt  }
0x56: {  	_ =	shalt  }
0x57: {  	_ =	shalt  }
0x58: {  	_ =	shalt  }
0x59: {  	_ =	shalt  }
0x5a: {  	_ =	shalt  }
0x5b: {  	_ =	shalt  }
0x5c: {  	_ =	shalt  }
0x5d: {  	_ =	shalt  }
0x5e: {  	_ =	shalt  }
0x5f: {  	_ =	shalt  }
0x60: {  	_ =	shalt  }
0x61: {  	_ =	shalt  }
0x62: {  	_ =	shalt  }
0x63: {  	_ =	shalt  }
0x64: {  	_ =	shalt  }
0x65: {  	_ =	shalt  }
0x66: {  	_ =	shalt  }
0x67: {  	_ =	shalt  }
0x68: {  	_ =	shalt  }
0x69: {  	_ =	shalt  }
0x6a: {  	_ =	shalt  }
0x6b: {  	_ =	shalt  }
0x6c: {  	_ =	shalt  }
0x6d: {  	_ =	shalt  }
0x6e: {  	_ =	shalt  }
0x6f: {  	_ =	shalt  }
0x70: {  	_ =	shalt  }
0x71: {  	_ =	shalt  }
0x72: {  	_ =	shalt  }
0x73: {  	_ =	shalt  }
0x74: {  	_ =	shalt  }
0x75: {  	_ =	shalt  }
0x76: {  	_ =	shalt  }
0x77: {  	_ =	shalt  }
0x78: {  	_ =	shalt  }
0x79: {  	_ =	shalt  }
0x7a: {  	_ =	shalt  }
0x7b: {  	_ =	shalt  }
0x7c: {  	_ =	shalt  }
0x7d: {  	_ =	shalt  }
0x7e: {  	_ =	shalt  }
0x7f: {  	_ =	shalt  }
0x80: {  	_ =	shalt  }
0x81: {  	_ =	shalt  }
0x82: {  	_ =	shalt  }
0x83: {  	_ =	shalt  }
0x84: {  	_ =	shalt  }
0x85: {  	_ =	shalt  }
0x86: {  	_ =	shalt  }
0x87: {  	_ =	shalt  }
.Lfunc_end0:
.L_simem_size_0:
called_computation.1_lowered:
.L_overlay_start_0:
0x88: {  	s2 =	sld [smem:$0x3FD9]  }
0x89: {  	s3 =	sld [smem:$0x3FFE];
	_ =	sdelay $0x1  }
0x8a: {  	s1 =	srdreg.scid  }
0x8b: {  	s0 =	sand.u32 $0x1, s1  }
0x8c: {  	s17 =	sshll.u32 s0, $0xA;
	s2 =	sadd.s32 s3, s2  }
0x8d: {  	s2 =	sadd.s32 s2, s17  }
0x8e: {  	[smem:$0x3FC5] =	sst s2  }
0x8f: {  	_ = 	snop  }
0x90: {  	s2 =	sld [smem:$0x3FC9];
	(tm) =	ssettm $0x1  }
0x91: {  	s18 =	sld [smem:$0x3FFB];
	_ =	sdelay $0x3  }
0x92: {  	_ =	strace s18  }
0x93: {  	s3 =	sld [smem:$0x3FFC];
	_ =	sdelay $0x3  }
0x94: {  	_ =	strace s3  }
0x95: {  	s3 =	sld [smem:$0x3FFD];
	_ =	sdelay $0x3  }
0x96: {  	_ =	strace s3  }
0x97: {  	_ =	strace $0x8FFFFFFF  }
0x98: {  	s19 =	sld [smem:$0x3FDB];
	_ =	sdelay $0x1  }
0x99: {  	s4 =	simm.s32 $_scs_section_size  }
0x9a: {  	s5 =	simm.s32 $_size__tile_overlayer_lowered;
	s6 =	simm.s32 $_tile_overlayer_lowered  }
0x9b: {  	s22 =	simm.s32 $0x1BFF;
	s21 =	sshll.u32 s6, $0x1;
	s3 =	sadd.s32 s4, s19  }
0x9c: {  	s7 =	simm.s32 $0x0;
	s20 =	sshll.u32 s5, $0x1;
	s5 =	sadd.s32 s21, s3  }
0x9d: {  	[timem:s7], [sflag:s22] =	dma.local [hbm:s5], s20  }
0x9e: {  	_ =	swait.ge [sflag:s22], s20  }
0x9f: {  	s4 =	ssub.s32 $0x0, s20;
	[sflag:s22] =	ssyncset.done $0x0  }
0xa0: {  	[sflag:s22] =	ssyncadd.s32 s4;
	_ =	sdelay $0x1  }
0xa1: {  	s23 =	simm.s32 $0x1B8B  }
0xa2: {  	_ =	swait.ge [sflag:s23], $0x1  }
0xa3: {  	[sflag:s23] =	ssyncset.done $0x0  }
0xa4: {  	s25 =	simm.s32 $0x1B8E;
	s24 =	sld [smem:$0x3FFE];
	[sflag:s23] =	ssyncadd.s32 $0xFFFFFFFF  }
0xa5: {  	s26 =	simm.s32 $execute0_lowered;
	[smem:$0x3FD2] =	sst s25  }
0xa6: {  	s5 =	sshll.u32 s26, $0x1;
	_ =	strace $0x80000046;
	[dreg:$0x1] =	wrdreg $0xFFFFFFFF  }
0xa7: {  	s28 =	simm.s32 $_size_execute0_lowered;
	s3 =	sadd.s32 s3, s5;
	[dreg:$0x0] =	wrdreg $0x0  }
0xa8: {  	s5 =	sshll.u32 s28, $0x1;
	[dreg:$0x2] =	wrdreg s3  }
0xa9: {  	[dreg:$0x3] =	wrdreg s5  }
0xaa: {  	[dreg:$0x4] =	wrdreg $0xC0  }
0xab: {  	_ =	task [dreg:s7], $0x5FFFF  }
0xac: {  	[dreg:$0x1] =	wrdreg $0xFFFFFFFF  }
0xad: {  	[dreg:$0x0] =	wrdreg $0x60  }
0xae: {  	[dreg:$0x2] =	wrdreg s24  }
0xaf: {  	[dreg:$0x3] =	wrdreg s2  }
0xb0: {  	[dreg:$0x4] =	wrdreg $0x9  }
0xb1: {  	_ =	task.clear_ibuf [dreg:s7], $0x5FFFF;
	_ =	strace $0x90000046  }
0xb2: {  	s29 =	simm.s32 $0x9;
	_ =	strace $0x80000048  }
0xb3: {  	_ =	swait.ge [sflag:s29], $0x1  }
0xb4: {  	[sflag:s29] =	ssyncadd.s32 $0xFFFFFFFF  }
0xb5: {  	_ =	strace $0x90000048  }
0xb6: {  	_ =	sfence  }
0xb7: {  	s30 =	sld [smem:$0x0];
	_ =	sdelay $0x2  }
0xb8: {  	s31 =	sshll.u32 s1, $0xD;
	s1 =	sshrl.u32 s1, $0x2  }
0xb9: {  	s3 =	sand.u32 $0x4000, s31;
	s1 =	sadd.s32 s1, s30  }
0xba: {  	s0 =	sor.u32 s3, s0;
	s1 =	sshll.u32 s1, $0x11  }
0xbb: {  	s0 =	sor.u32 s1, s0  }
0xbc: {  	s0 =	sadd.s32 $0x8F2B, s0  }
0xbd: {  	[sflag:s0] =	ssyncadd.remote.s32 $0x1  }
0xbe: {  	_ =	sfence.sel $0xFFFF  }
0xbf: {  	[dreg:$0x0] =	wrdreg $0xFFFFFFFF;
	(pc) =	sbr.abs _section_cstart, $3  }
0xc0: {  	[dreg:$0x1] =	wrdreg $0xFFFFFFFF  }
0xc1: {  	_ =	task.clear_ibuf [dreg:s7], $0x2FFFF;
	_ =	strace $0x9FFFFFFF  }
0xc2: {  	(tm) =	ssettm $0x7FFFFFFF  }
0xc3: {  	_ =	shalt  }
tec
execute0_lowered:
.L_overlay_start_1:
0x0: {  	(tag) =	ssettag $0x1  }
0x1: {  	s0 =	srdreg.scid  }
0x2: {  	s12 =	stileid.u32;
	s3 =	rddreg [dreg:$0x0]  }
0x3: {  	s5 =	rddreg [dreg:$0x1];
	s7 =	smul.u32 $0xC80000, s12  }
0x4: {  	s4 =	simm.s32 $0x0;
	s29 =	simm.s32 $0x40;
	s9 =	smul.u32 $0xC800, s12  }
0x5: {  	s31 =	simm.s32 $0x2;
	s0 =	sand.u32 $0x1, s0;
	s19 =	smul.u32 $0x190, s12  }
0x6: {  	s1 =	sshll.u32 s12, $0x1;
	[smem:$0x7FF] =	sst s4;
	s8 =	smul.u32 $0x640000, s0  }
0x7: {  	s4 =	sadd.s32 $0x1000, s3;
	s6 =	sadd.s32 $0x800, s3;
	s10 =	smul.u32 $0x6400, s0  }
0x8: {  	s1 =	sor.u32 s0, s1;
	s18 =	ssub.s32 $0x2, s0;
	s0 =	smul.u32 $0xC8, s0  }
0x9: {  	_ =	strace $0x80000047;
	[dreg:$0x3] =	wrdreg s6;
	s2 =	smul.u32 $0xC8, s1  }
0xa: {  	s6 =	sadd.s32 $0xC4600, s3;
	s1 =	smul.u32 $0xC80, s1;
	s11 =	sshrl.u32 s18, $0x1  }
0xb: {  	s7 =	sadd.s32 s8, s7;
	s3 =	ssub.s32 s18, s11;
	s23 =	sadd.s32 s10, s9  }
0xc: {  	s0 =	sadd.s32 s0, s19;
	s20 =	sor.u32 $0x7C0, s7;
	s1 =	sadd.s32 s5, s1  }
0xd: {  	s21 =	smax.u32 s3, $0x1;
	[dreg:$0x7] =	wrdreg s23;
	s24 =	sor.u32 $0x87C0, s7  }
0xe: {  	s0 =	sshll.u32 s0, $0x7;
	s25 =	sor.u32 $0x10400, s7;
	[dreg:$0x4] =	wrdreg s1  }
0xf: {  	s28 =	sor.u32 $0x18400, s7;
	[dreg:$0x5] =	wrdreg s21;
	s22 =	sshrl.u32 s20, $0x2  }
0x10: {  	s23 =	simm.s32 $0xD400;
	s1 =	sshrl.u32 s24, $0x2;
	[dreg:$0x6] =	wrdreg s22  }
0x11: {  	s3 =	simm.s32 $0x0;
	s26 =	sor.u32 $0x80, s0;
	[dreg:$0x8] =	wrdreg s1  }
0x12: {  	s30 =	sor.u32 $0x100, s0;
	s0 =	sor.u32 $0x180, s0;
	[dreg:$0x9] =	wrdreg s26  }
0x13: {  	s20 =	simm.s32 $0x80;
	s21 =	simm.s32 $0xB400;
	[dreg:$0xb] =	wrdreg s30  }
0x14: {  	s1 =	sshrl.u32 s25, $0x2;
	[dreg:$0xd] =	wrdreg s0;
	s25 =	simm.s32 $0xF400  }
0x15: {  	s26 =	simm.s32 $0x1;
	[dreg:$0xa] =	wrdreg s1;
	s1 =	sshrl.u32 s28, $0x2  }
0x16: {  	s0 =	simm.s32 $0x3;
	s22 =	simm.s32 $0x4;
	[dreg:$0xc] =	wrdreg s1  }
.LBB2_1:
0x17: {  	[dreg:$0xe] =	wrdreg s3  }
0x18: {  	s1 =	simm.s32 $0x0;
	s18 =	rddreg [dreg:$0x3];
	s5 =	simm.s32 $0x9  }
0x19: {  	[tilespmem:s1], [sflag:$0x9] =	stream.linear.gather [hbm4b:s18+s1], $0x3200, $0x38;
	[tilespmem:$0x1B400] =	vst v63  }
0x1a: {  	_ =	swait.ge [sflag:s5], $0x3200  }
0x1b: {  	[sflag:s5] =	ssyncset.done $0x0  }
0x1c: {  	s7 =	simm.s32 $0x3200;
	[sflag:s5] =	ssyncadd.s32 $0xFFFFCE00  }
0x1d: {  	[tilespmem:s7], [sflag:$0x9] =	stream.linear.gather [hbm4b:s18+s1], $0x1E00, $0x38;
	[tilespmem:$0x1B400] =	vst v63  }
0x1e: {  	_ =	swait.ge [sflag:s5], $0x1E00  }
0x1f: {  	[sflag:s5] =	ssyncset.done $0x0  }
0x20: {  	s24 =	simm.s32 $0x5000;
	s19 =	rddreg [dreg:$0x4];
	[sflag:s5] =	ssyncadd.s32 $0xFFFFE200  }
0x21: {  	[tilespmem:s24], [sflag:$0x9] =	stream.linear.gather [hbm4b:s19+s1], $0x6400, $0x38;
	[tilespmem:$0x1B400] =	vst v63  }
0x22: {  	_ =	swait.ge [sflag:s5], $0x6400  }
0x23: {  	s16 =	rddreg [dreg:$0xd]  }
0x24: {  	s15 =	rddreg [dreg:$0xc]  }
0x25: {  	s14 =	rddreg [dreg:$0xb]  }
0x26: {  	s13 =	rddreg [dreg:$0xa]  }
0x27: {  	[sflag:s5] =	ssyncset.done $0x0;
	s12 =	rddreg [dreg:$0x9]  }
0x28: {  	s11 =	rddreg [dreg:$0x8];
	[sflag:s5] =	ssyncadd.s32 $0xFFFF9C00  }
0x29: {  	[tilespmem:s21], [sflag:$0x1] =	stream.indirect.gather [hbm4b:s4+s20], $0x40, s24, s20, $0xb8;
	[tilespmem:$0x1B400] =	vst v63  }
0x2a: {  	s28 =	simm.s32 $0x5080;
	s3 =	rddreg [dreg:$0x7]  }
0x2b: {  	[tilespmem:s23], [sflag:$0x2] =	stream.indirect.gather [hbm4b:s4+s20], $0x40, s28, s20, $0xb8;
	[tilespmem:$0x1B400] =	vst v63  }
0x2c: {  	s30 =	simm.s32 $0x5100;
	s7 =	simm.s32 $0x0;
	s19 =	rddreg [dreg:$0x6]  }
0x2d: {  	[tilespmem:s25], [sflag:$0x3] =	stream.indirect.gather [hbm4b:s4+s20], $0x40, s30, s20, $0xb8;
	[tilespmem:$0x1B400] =	vst v63  }
.LBB2_2:
0x2e: {  	s1 =	smulhi.u32 $0x51EB851F, s3;
	_ =	swait.ge [sflag:s26], $0x2000  }
0x2f: {  	p0 =	seq.s32 s7, $0x0;
	[sflag:s26] =	ssyncset.done $0x0  }
0x30: {  	s5 =	simm.s32 @!p0 $0x5;
	s1 =	sshrl.u32 s1, $0x6;
	[sflag:s26] =	ssyncadd.s32 $0xFFFFE000  }
0x31: {  	s1 =	smul.u32 $0xFFFF3800, s1;
	_ =	swait.ge @!p0 [sflag:s5], $0x2000  }
0x32: {  	[sflag:s5] =	ssyncset.done @!p0 $0x0  }
0x33: {  	s8 =	sshra.s32 s1, $0x2;
	[sflag:s5] =	ssyncadd.s32 @!p0 $0xFFFFE000;
	s1 =	simm.s32 $0xB500  }
0x34: {  	v0 =	vld [tilespmem:s1+$0xC0]  }
0x35: {  	v3 =	vld [tilespmem:s1+$0xFFFFFF40]  }
0x36: {  	v5 =	vld [tilespmem:s1+$0xFFFFFF80]  }
0x37: {  	v9 =	vld [tilespmem:s1+$0x0]  }
0x38: {  	v11 =	vld [tilespmem:s1+$0x40]  }
0x39: {  	s5 =	sadd.s32 s8, s19;
	v13 =	vld [tilespmem:s1+$0x80]  }
0x3a: {  	v1 =	vld [tilespmem:s5+$0xFFFFFFD0]  }
0x3b: {  	v2 =	vld [tilespmem:s5+$0xFFFFFE10]  }
0x3c: {  	v4 =	vld [tilespmem:s5+$0xFFFFFE50]  }
0x3d: {  	v6 =	vld [tilespmem:s5+$0xFFFFFE90]  }
0x3e: {  	v7 =	vld [tilespmem:s5+$0xFFFFFED0]  }
0x3f: {  	v10 =	vld [tilespmem:s5+$0xFFFFFF10];
	v0 =	vadd.f32 v1, v0  }
0x40: {  	s28 =	simm.s32 $0x13500;
	v1 =	vld [tilespmem:s1+$0xFFFFFFC0]  }
0x41: {  	v3 =	vadd.f32 v4, v3;
	v4 =	vld [tilespmem:s1+$0xFFFFFF00];
	[tilespmem:s28+$0xC0] =	vst v0  }
0x42: {  	v0 =	vld [tilespmem:s1+$0xD0]  }
0x43: {  	v8 =	vld [tilespmem:s5+$0xFFFFFFE0]  }
0x44: {  	v12 =	vld [tilespmem:s5+$0xFFFFFF50];
	[tilespmem:s28+$0xFFFFFF40] =	vst v3;
	v3 =	vadd.f32 v6, v5  }
0x45: {  	v6 =	vld [tilespmem:s1+$0xFFFFFF50]  }
0x46: {  	[tilespmem:s28+$0xFFFFFF80] =	vst v3;
	v3 =	vld [tilespmem:s5+$0xFFFFFE60];
	v1 =	vadd.f32 v7, v1  }
0x47: {  	v2 =	vadd.f32 v2, v4;
	v4 =	vld [tilespmem:s1+$0xFFFFFF90]  }
0x48: {  	[tilespmem:s28+$0xFFFFFFC0] =	vst v1;
	v1 =	vld [tilespmem:s5+$0xFFFFFEA0];
	v0 =	vadd.f32 v8, v0  }
0x49: {  	[tilespmem:s28+$0xFFFFFF00] =	vst v2;
	v2 =	vld [tilespmem:s1+$0xFFFFFFD0]  }
0x4a: {  	v54 =	vld [tilespmem:s5+$0xFFFFFEE0];
	[tilespmem:s28+$0xD0] =	vst v0  }
0x4b: {  	v3 =	vadd.f32 v3, v6;
	v0 =	vld [tilespmem:s1+$0xE0]  }
0x4c: {  	v5 =	vld [tilespmem:s5+$0xFFFFFFF0]  }
0x4d: {  	v8 =	vld [tilespmem:s5+$0xFFFFFF90];
	[tilespmem:s28+$0xFFFFFF50] =	vst v3;
	v1 =	vadd.f32 v1, v4  }
0x4e: {  	v4 =	vld [tilespmem:s1+$0xFFFFFF60]  }
0x4f: {  	[tilespmem:s28+$0xFFFFFF90] =	vst v1;
	v1 =	vadd.f32 v54, v2;
	v2 =	vld [tilespmem:s5+$0xFFFFFE70]  }
0x50: {  	v7 =	vld [tilespmem:s5+$0xFFFFFE20]  }
0x51: {  	v57 =	vld [tilespmem:s1+$0xFFFFFFA0];
	v0 =	vadd.f32 v5, v0  }
0x52: {  	v5 =	vld [tilespmem:s1+$0xFFFFFF10];
	[tilespmem:s28+$0xFFFFFFD0] =	vst v1  }
0x53: {  	v58 =	vld [tilespmem:s1+$0xFFFFFFE0];
	[tilespmem:s28+$0xE0] =	vst v0;
	v0 =	vadd.f32 v10, v9  }
0x54: {  	v52 =	vld [tilespmem:s1+$0xF0];
	v2 =	vadd.f32 v2, v4  }
0x55: {  	v53 =	vld [tilespmem:s5+$0x0];
	[tilespmem:s28+$0x0] =	vst v0;
	v0 =	vadd.f32 v12, v11  }
0x56: {  	v55 =	vld [tilespmem:s1+$0x10];
	[tilespmem:s28+$0xFFFFFF60] =	vst v2  }
0x57: {  	[tilespmem:s28+$0x40] =	vst v0;
	v0 =	vadd.f32 v8, v13;
	v8 =	vld [tilespmem:s5+$0xFFFFFF20]  }
0x58: {  	v60 =	vld [tilespmem:s1+$0xFFFFFF70]  }
0x59: {  	v56 =	vld [tilespmem:s1+$0x50]  }
0x5a: {  	[tilespmem:s28+$0x80] =	vst v0;
	v0 =	vadd.f32 v7, v5;
	v5 =	vld [tilespmem:s5+$0xFFFFFF60]  }
0x5b: {  	v7 =	vld [tilespmem:s1+$0x90]  }
0x5c: {  	[tilespmem:s28+$0xFFFFFF10] =	vst v0;
	v0 =	vld [tilespmem:s5+$0xFFFFFFA0]  }
0x5d: {  	v6 =	vld [tilespmem:s1+$0xFFFFFF20]  }
0x5e: {  	v3 =	vld [tilespmem:s5+$0xFFFFFE30];
	v1 =	vadd.f32 v8, v55  }
0x5f: {  	v8 =	vld [tilespmem:s5+$0xFFFFFEB0]  }
0x60: {  	[tilespmem:s28+$0x10] =	vst v1;
	v1 =	vadd.f32 v5, v56;
	v5 =	vld [tilespmem:s5+$0xFFFFFEF0]  }
0x61: {  	v59 =	vld [tilespmem:s1+$0x20]  }
0x62: {  	[tilespmem:s28+$0x50] =	vst v1;
	v0 =	vadd.f32 v0, v7;
	v1 =	vld [tilespmem:s5+$0xFFFFFF30]  }
0x63: {  	v7 =	vld [tilespmem:s1+$0x60]  }
0x64: {  	v3 =	vadd.f32 v3, v6;
	[tilespmem:s28+$0x90] =	vst v0;
	v0 =	vld [tilespmem:s5+$0xFFFFFF70]  }
0x65: {  	v2 =	vadd.f32 v8, v57;
	v6 =	vld [tilespmem:s1+$0xA0]  }
0x66: {  	[tilespmem:s28+$0xFFFFFF20] =	vst v3;
	v3 =	vld [tilespmem:s5+$0xFFFFFFB0]  }
0x67: {  	[tilespmem:s28+$0xFFFFFFA0] =	vst v2;
	v2 =	vadd.f32 v5, v58;
	v5 =	vld [tilespmem:s5+$0xFFFFFE80]  }
0x68: {  	v4 =	vld [tilespmem:s1+$0xFFFFFF30]  }
0x69: {  	v8 =	vld [tilespmem:s5+$0xFFFFFE40]  }
0x6a: {  	v61 =	vld [tilespmem:s1+$0xFFFFFFB0]  }
0x6b: {  	s10 =	smulhi.u32 $0x51EB851F, s12;
	v62 =	vld [tilespmem:s5+$0xFFFFFEC0];
	[tilespmem:s28+$0xFFFFFFE0] =	vst v2;
	v1 =	vadd.f32 v1, v59  }
0x6c: {  	s17 =	smulhi.u32 $0x51EB851F, s16;
	v2 =	vadd.f32 v53, v52;
	v63 =	vld [tilespmem:s1+$0xFFFFFFF0]  }
0x6d: {  	s9 =	smulhi.u32 $0x51EB851F, s14;
	s18 =	sshrl.u32 s10, $0x6;
	[tilespmem:s28+$0x20] =	vst v1;
	v1 =	vadd.f32 v0, v7;
	v7 =	vld [tilespmem:s5+$0xFFFFFF00]  }
0x6e: {  	s10 =	smul.u32 $0xFFFF3800, s18;
	s8 =	sshrl.u32 s17, $0x6;
	[tilespmem:s28+$0xF0] =	vst v2;
	v3 =	vadd.f32 v3, v6;
	v0 =	vld [tilespmem:s1+$0x30]  }
0x6f: {  	s9 =	sshrl.u32 s9, $0x6;
	s8 =	smul.u32 $0xFFFF3800, s8;
	v2 =	vld [tilespmem:s5+$0xFFFFFF40];
	[tilespmem:s28+$0x60] =	vst v1;
	v4 =	vadd.f32 v8, v4  }
0x70: {  	s30 =	simm.s32 $0x0;
	s17 =	smul.u32 $0xFFFF3800, s9;
	[tilespmem:s28+$0xA0] =	vst v3;
	v3 =	vadd.f32 v5, v60;
	v1 =	vld [tilespmem:s1+$0x70]  }
0x71: {  	s18 =	simm.s32 $0xB700;
	s10 =	sshra.s32 s10, $0x2;
	s8 =	sshra.s32 s8, $0x2;
	v5 =	vadd.f32 v62, v61;
	[tilespmem:s28+$0xFFFFFF30] =	vst v4;
	v4 =	vld [tilespmem:s5+$0xFFFFFF80]  }
0x72: {  	s24 =	sshra.s32 s17, $0x2;
	s9 =	sadd.s32 s8, s15;
	s8 =	sshll.u32 s7, $0x2;
	[tilespmem:s28+$0xFFFFFF70] =	vst v3;
	v3 =	vld [tilespmem:s1+$0xB0];
	v6 =	vadd.f32 v7, v63  }
0x73: {  	s10 =	sadd.s32 s10, s11;
	s17 =	sadd.s32 s24, s13;
	s1 =	sadd.s32 s2, s8;
	[tilespmem:s28+$0xFFFFFFB0] =	vst v5;
	v5 =	vld [tilespmem:s5+$0xFFFFFFC0]  }
.LBB2_3:
0x74: {  	v7 =	vld [tilespmem:s18+$0xC0];
	[tilespmem:s28+$0xFFFFFFF0] =	vst v6;
	v0 =	vadd.f32 v2, v0;
	s5 =	sadd.s32 $0x200, s5  }
0x75: {  	v2 =	vld [tilespmem:s5+$0xFFFFFFD0]  }
0x76: {  	v6 =	vld [tilespmem:s5+$0xFFFFFE10];
	[tilespmem:s28+$0x30] =	vst v0;
	v0 =	vadd.f32 v4, v1  }
0x77: {  	v1 =	vld [tilespmem:s18+$0xFFFFFF40]  }
0x78: {  	s30 =	sadd.s32 $0x8, s30;
	v4 =	vld [tilespmem:s5+$0xFFFFFE50];
	[tilespmem:s28+$0x70] =	vst v0;
	v0 =	vadd.f32 v5, v3  }
0x79: {  	p1 =	slt.u32 s30, $0x78;
	v3 =	vld [tilespmem:s18+$0xFFFFFF80]  }
0x7a: {  	v5 =	vld [tilespmem:s5+$0xFFFFFE90];
	v2 =	vadd.f32 v2, v7;
	[tilespmem:s28+$0xB0] =	vst v0  }
0x7b: {  	s28 =	sadd.s32 $0x200, s28;
	v0 =	vld [tilespmem:s18+$0xFFFFFFC0]  }
0x7c: {  	v7 =	vld [tilespmem:s5+$0xFFFFFED0];
	[tilespmem:s28+$0xC0] =	vst v2  }
0x7d: {  	v1 =	vadd.f32 v4, v1;
	v2 =	vld [tilespmem:s18+$0xD0]  }
0x7e: {  	v4 =	vld [tilespmem:s5+$0xFFFFFFE0]  }
0x7f: {  	[tilespmem:s28+$0xFFFFFF40] =	vst v1;
	v1 =	vadd.f32 v5, v3;
	v3 =	vld [tilespmem:s18+$0x0]  }
0x80: {  	v5 =	vld [tilespmem:s5+$0xFFFFFF10]  }
0x81: {  	[tilespmem:s28+$0xFFFFFF80] =	vst v1;
	v0 =	vadd.f32 v7, v0;
	v1 =	vld [tilespmem:s18+$0x40]  }
0x82: {  	v7 =	vld [tilespmem:s5+$0xFFFFFF50]  }
0x83: {  	[tilespmem:s28+$0xFFFFFFC0] =	vst v0;
	v0 =	vld [tilespmem:s18+$0x80];
	v2 =	vadd.f32 v4, v2  }
0x84: {  	v4 =	vld [tilespmem:s5+$0xFFFFFF90]  }
0x85: {  	v8 =	vld [tilespmem:s18+$0xFFFFFF00];
	v3 =	vadd.f32 v5, v3;
	[tilespmem:s28+$0xD0] =	vst v2  }
0x86: {  	v2 =	vld [tilespmem:s18+$0xE0]  }
0x87: {  	[tilespmem:s28+$0x0] =	vst v3;
	v1 =	vadd.f32 v7, v1;
	v3 =	vld [tilespmem:s5+$0xFFFFFFF0]  }
0x88: {  	v5 =	vld [tilespmem:s18+$0xFFFFFF50]  }
0x89: {  	v7 =	vld [tilespmem:s5+$0xFFFFFE60];
	[tilespmem:s28+$0x40] =	vst v1;
	v0 =	vadd.f32 v4, v0  }
0x8a: {  	v1 =	vadd.f32 v6, v8;
	v4 =	vld [tilespmem:s18+$0xFFFFFF90]  }
0x8b: {  	v6 =	vld [tilespmem:s5+$0xFFFFFEA0];
	[tilespmem:s28+$0x80] =	vst v0  }
0x8c: {  	[tilespmem:s28+$0xFFFFFF00] =	vst v1;
	v0 =	vld [tilespmem:s18+$0xFFFFFFD0];
	v1 =	vadd.f32 v3, v2  }
0x8d: {  	v2 =	vld [tilespmem:s18+$0xFFFFFF10]  }
0x8e: {  	v3 =	vld [tilespmem:s5+$0xFFFFFE20];
	v5 =	vadd.f32 v7, v5;
	[tilespmem:s28+$0xE0] =	vst v1  }
0x8f: {  	v1 =	vld [tilespmem:s18+$0xF0]  }
0x90: {  	[tilespmem:s28+$0xFFFFFF50] =	vst v5;
	v4 =	vadd.f32 v6, v4;
	v5 =	vld [tilespmem:s5+$0x0]  }
0x91: {  	v6 =	vld [tilespmem:s5+$0xFFFFFEE0]  }
0x92: {  	[tilespmem:s28+$0xFFFFFF90] =	vst v4;
	v4 =	vld [tilespmem:s18+$0x10]  }
0x93: {  	v2 =	vadd.f32 v3, v2;
	v3 =	vld [tilespmem:s5+$0xFFFFFF20]  }
0x94: {  	v7 =	vld [tilespmem:s18+$0x50]  }
0x95: {  	[tilespmem:s28+$0xFFFFFF10] =	vst v2;
	v2 =	vld [tilespmem:s5+$0xFFFFFF60];
	v1 =	vadd.f32 v5, v1  }
0x96: {  	v0 =	vadd.f32 v6, v0;
	v5 =	vld [tilespmem:s18+$0x90]  }
0x97: {  	v6 =	vld [tilespmem:s5+$0xFFFFFFA0];
	[tilespmem:s28+$0xF0] =	vst v1  }
0x98: {  	v1 =	vld [tilespmem:s18+$0xFFFFFF20];
	[tilespmem:s28+$0xFFFFFFD0] =	vst v0;
	v0 =	vadd.f32 v3, v4  }
0x99: {  	v3 =	vld [tilespmem:s5+$0xFFFFFE30]  }
0x9a: {  	v4 =	vld [tilespmem:s18+$0xFFFFFF60];
	[tilespmem:s28+$0x10] =	vst v0;
	v0 =	vadd.f32 v2, v7  }
0x9b: {  	v2 =	vld [tilespmem:s5+$0xFFFFFE70]  }
0x9c: {  	v7 =	vld [tilespmem:s18+$0xFFFFFFA0];
	[tilespmem:s28+$0x50] =	vst v0;
	v0 =	vadd.f32 v6, v5  }
0x9d: {  	v5 =	vld [tilespmem:s5+$0xFFFFFEB0]  }
0x9e: {  	v1 =	vadd.f32 v3, v1;
	v3 =	vld [tilespmem:s18+$0xFFFFFFE0];
	[tilespmem:s28+$0x90] =	vst v0  }
0x9f: {  	v0 =	vld [tilespmem:s5+$0xFFFFFEF0]  }
0xa0: {  	[tilespmem:s28+$0xFFFFFF20] =	vst v1;
	v1 =	vadd.f32 v2, v4;
	v2 =	vld [tilespmem:s18+$0x20]  }
0xa1: {  	v4 =	vld [tilespmem:s5+$0xFFFFFF30]  }
0xa2: {  	[tilespmem:s28+$0xFFFFFF60] =	vst v1;
	v1 =	vadd.f32 v5, v7;
	v5 =	vld [tilespmem:s18+$0x60]  }
0xa3: {  	v6 =	vld [tilespmem:s5+$0xFFFFFF70]  }
0xa4: {  	[tilespmem:s28+$0xFFFFFFA0] =	vst v1;
	v0 =	vadd.f32 v0, v3;
	v1 =	vld [tilespmem:s18+$0xA0]  }
0xa5: {  	v3 =	vld [tilespmem:s5+$0xFFFFFFB0]  }
0xa6: {  	v7 =	vld [tilespmem:s18+$0xFFFFFF30];
	[tilespmem:s28+$0xFFFFFFE0] =	vst v0;
	v0 =	vadd.f32 v4, v2  }
0xa7: {  	v2 =	vld [tilespmem:s5+$0xFFFFFE40]  }
0xa8: {  	v4 =	vld [tilespmem:s18+$0xFFFFFF70];
	[tilespmem:s28+$0x20] =	vst v0;
	v0 =	vadd.f32 v6, v5  }
0xa9: {  	v5 =	vld [tilespmem:s5+$0xFFFFFE80]  }
0xaa: {  	v6 =	vld [tilespmem:s18+$0xFFFFFFB0];
	[tilespmem:s28+$0x60] =	vst v0;
	v0 =	vadd.f32 v3, v1  }
0xab: {  	v1 =	vld [tilespmem:s5+$0xFFFFFEC0]  }
0xac: {  	v2 =	vadd.f32 v2, v7;
	v3 =	vld [tilespmem:s18+$0xFFFFFFF0];
	[tilespmem:s28+$0xA0] =	vst v0  }
0xad: {  	v7 =	vld [tilespmem:s5+$0xFFFFFF00]  }
0xae: {  	[tilespmem:s28+$0xFFFFFF30] =	vst v2;
	v4 =	vadd.f32 v5, v4;
	v0 =	vld [tilespmem:s18+$0x30]  }
.Ltmp0:
0xaf: {  	v2 =	vld [tilespmem:s5+$0xFFFFFF40];
	(pc) =	sbr.rel @p1 .LBB2_3-.Ltmp0, $4  }
0xb0: {  	[tilespmem:s28+$0xFFFFFF70] =	vst v4;
	v5 =	vadd.f32 v1, v6;
	v1 =	vld [tilespmem:s18+$0x70]  }
0xb1: {  	v4 =	vld [tilespmem:s5+$0xFFFFFF80]  }
0xb2: {  	[tilespmem:s28+$0xFFFFFFB0] =	vst v5;
	v6 =	vadd.f32 v7, v3;
	v3 =	vld [tilespmem:s18+$0xB0]  }
0xb3: {  	s18 =	sadd.s32 $0x200, s18;
	v5 =	vld [tilespmem:s5+$0xFFFFFFC0]  }
0xb4: {  	_ =	sdelay $0x1  }
0xb5: {  	v0 =	vadd.f32 v2, v0  }
0xb6: {  	[tilespmem:s28+$0xFFFFFFF0] =	vst v6;
	s5 =	sor.u32 $0x3, s8;
	v1 =	vadd.f32 v4, v1  }
0xb7: {  	s18 =	sshll.u32 s5, $0x7;
	[tilespmem:s28+$0x30] =	vst v0;
	v0 =	vadd.f32 v5, v3  }
0xb8: {  	s18 =	sand.u32 $0x3FFFFF80, s18;
	[tilespmem:s28+$0x70] =	vst v1  }
0xb9: {  	s24 =	simm.s32 $0x11400;
	s1 =	sshll.u32 s1, $0xB;
	s18 =	sadd.s32 $0x5000, s18;
	[tilespmem:s28+$0xB0] =	vst v0  }
0xba: {  	[tilespmem:s24], [sflag:$0x4] =	stream.indirect.gather [hbm4b:s4+s20], $0x40, s18, s20, $0xb8;
	[tilespmem:$0x1B400] =	vst v63  }
0xbb: {  	s1 =	sadd.s32 s6, s1;
	s24 =	simm.s32 $0x13400  }
0xbc: {  	[hbm4b:s1+s29] =	stream.strided.scatter [tilespmem:s24], [sflag:$0x5], $0x2000, s20, s29, $0x38;
	[tilespmem:$0x1B400] =	vst v63  }
0xbd: {  	_ =	swait.ge [sflag:s31], $0x2000  }
0xbe: {  	[sflag:s31] =	ssyncset.done $0x0  }
0xbf: {  	s1 =	simm.s32 @!p0 $0x6;
	[sflag:s31] =	ssyncadd.s32 $0xFFFFE000  }
0xc0: {  	_ =	swait.ge @!p0 [sflag:s1], $0x2000  }
0xc1: {  	[sflag:s1] =	ssyncset.done @!p0 $0x0  }
0xc2: {  	s24 =	simm.s32 $0xD5F0;
	[sflag:s1] =	ssyncadd.s32 @!p0 $0xFFFFE000  }
0xc3: {  	v0 =	vld [tilespmem:s24+$0xFFFFFFD0]  }
0xc4: {  	v1 =	vld [tilespmem:s10+$0xFFFFFFD0]  }
0xc5: {  	v2 =	vld [tilespmem:s10+$0xFFFFFE10]  }
0xc6: {  	v3 =	vld [tilespmem:s24+$0xFFFFFE50]  }
0xc7: {  	v4 =	vld [tilespmem:s10+$0xFFFFFE50]  }
0xc8: {  	v5 =	vld [tilespmem:s24+$0xFFFFFE90]  }
0xc9: {  	v6 =	vld [tilespmem:s10+$0xFFFFFE90]  }
0xca: {  	v7 =	vld [tilespmem:s10+$0xFFFFFED0]  }
0xcb: {  	v9 =	vld [tilespmem:s24+$0xFFFFFF10]  }
0xcc: {  	v10 =	vld [tilespmem:s10+$0xFFFFFF10]  }
0xcd: {  	v11 =	vld [tilespmem:s24+$0xFFFFFF50]  }
0xce: {  	v12 =	vld [tilespmem:s10+$0xFFFFFF50];
	v0 =	vadd.f32 v1, v0  }
0xcf: {  	s30 =	simm.s32 $0x155F0;
	v1 =	vld [tilespmem:s24+$0xFFFFFED0]  }
0xd0: {  	v3 =	vadd.f32 v4, v3;
	v4 =	vld [tilespmem:s24+$0xFFFFFE10];
	[tilespmem:s30+$0xFFFFFFD0] =	vst v0  }
0xd1: {  	v0 =	vld [tilespmem:s24+$0xFFFFFFE0]  }
0xd2: {  	v8 =	vld [tilespmem:s10+$0xFFFFFFE0]  }
0xd3: {  	v13 =	vld [tilespmem:s24+$0xFFFFFF90];
	[tilespmem:s30+$0xFFFFFE50] =	vst v3;
	v3 =	vadd.f32 v6, v5  }
0xd4: {  	v6 =	vld [tilespmem:s24+$0xFFFFFE60]  }
0xd5: {  	[tilespmem:s30+$0xFFFFFE90] =	vst v3;
	v3 =	vld [tilespmem:s10+$0xFFFFFE60];
	v1 =	vadd.f32 v7, v1  }
0xd6: {  	v2 =	vadd.f32 v2, v4;
	v4 =	vld [tilespmem:s24+$0xFFFFFEA0]  }
0xd7: {  	[tilespmem:s30+$0xFFFFFED0] =	vst v1;
	v1 =	vld [tilespmem:s10+$0xFFFFFEA0];
	v0 =	vadd.f32 v8, v0  }
0xd8: {  	[tilespmem:s30+$0xFFFFFE10] =	vst v2;
	v2 =	vld [tilespmem:s24+$0xFFFFFEE0]  }
0xd9: {  	v55 =	vld [tilespmem:s10+$0xFFFFFEE0];
	[tilespmem:s30+$0xFFFFFFE0] =	vst v0  }
0xda: {  	v3 =	vadd.f32 v3, v6;
	v0 =	vld [tilespmem:s24+$0xFFFFFFF0]  }
0xdb: {  	v5 =	vld [tilespmem:s10+$0xFFFFFFF0]  }
0xdc: {  	v8 =	vld [tilespmem:s10+$0xFFFFFF90];
	[tilespmem:s30+$0xFFFFFE60] =	vst v3;
	v1 =	vadd.f32 v1, v4  }
0xdd: {  	v4 =	vld [tilespmem:s24+$0xFFFFFE70]  }
0xde: {  	[tilespmem:s30+$0xFFFFFEA0] =	vst v1;
	v1 =	vadd.f32 v55, v2;
	v2 =	vld [tilespmem:s10+$0xFFFFFE70]  }
0xdf: {  	v7 =	vld [tilespmem:s10+$0xFFFFFE20]  }
0xe0: {  	v58 =	vld [tilespmem:s24+$0xFFFFFEB0];
	v0 =	vadd.f32 v5, v0  }
0xe1: {  	v5 =	vld [tilespmem:s24+$0xFFFFFE20];
	[tilespmem:s30+$0xFFFFFEE0] =	vst v1  }
0xe2: {  	v59 =	vld [tilespmem:s24+$0xFFFFFEF0];
	[tilespmem:s30+$0xFFFFFFF0] =	vst v0;
	v0 =	vadd.f32 v10, v9  }
0xe3: {  	v53 =	vld [tilespmem:s24+$0x0];
	v2 =	vadd.f32 v2, v4  }
0xe4: {  	v54 =	vld [tilespmem:s10+$0x0];
	[tilespmem:s30+$0xFFFFFF10] =	vst v0;
	v0 =	vadd.f32 v12, v11  }
0xe5: {  	v56 =	vld [tilespmem:s24+$0xFFFFFF20];
	[tilespmem:s30+$0xFFFFFE70] =	vst v2  }
0xe6: {  	[tilespmem:s30+$0xFFFFFF50] =	vst v0;
	v0 =	vadd.f32 v8, v13;
	v8 =	vld [tilespmem:s10+$0xFFFFFF20]  }
0xe7: {  	v61 =	vld [tilespmem:s24+$0xFFFFFE80]  }
0xe8: {  	v57 =	vld [tilespmem:s24+$0xFFFFFF60]  }
0xe9: {  	[tilespmem:s30+$0xFFFFFF90] =	vst v0;
	v0 =	vadd.f32 v7, v5;
	v5 =	vld [tilespmem:s10+$0xFFFFFF60]  }
0xea: {  	v7 =	vld [tilespmem:s24+$0xFFFFFFA0]  }
0xeb: {  	[tilespmem:s30+$0xFFFFFE20] =	vst v0;
	v0 =	vld [tilespmem:s10+$0xFFFFFFA0]  }
0xec: {  	v6 =	vld [tilespmem:s24+$0xFFFFFE30]  }
0xed: {  	v3 =	vld [tilespmem:s10+$0xFFFFFE30];
	v1 =	vadd.f32 v8, v56  }
0xee: {  	v8 =	vld [tilespmem:s10+$0xFFFFFEB0]  }
0xef: {  	[tilespmem:s30+$0xFFFFFF20] =	vst v1;
	v1 =	vadd.f32 v5, v57;
	v5 =	vld [tilespmem:s10+$0xFFFFFEF0]  }
0xf0: {  	v60 =	vld [tilespmem:s24+$0xFFFFFF30]  }
0xf1: {  	[tilespmem:s30+$0xFFFFFF60] =	vst v1;
	v0 =	vadd.f32 v0, v7;
	v1 =	vld [tilespmem:s10+$0xFFFFFF30]  }
0xf2: {  	v7 =	vld [tilespmem:s24+$0xFFFFFF70]  }
0xf3: {  	v3 =	vadd.f32 v3, v6;
	[tilespmem:s30+$0xFFFFFFA0] =	vst v0;
	v0 =	vld [tilespmem:s10+$0xFFFFFF70]  }
0xf4: {  	v2 =	vadd.f32 v8, v58;
	v6 =	vld [tilespmem:s24+$0xFFFFFFB0]  }
0xf5: {  	[tilespmem:s30+$0xFFFFFE30] =	vst v3;
	v3 =	vld [tilespmem:s10+$0xFFFFFFB0]  }
0xf6: {  	[tilespmem:s30+$0xFFFFFEB0] =	vst v2;
	v2 =	vadd.f32 v5, v59;
	v5 =	vld [tilespmem:s10+$0xFFFFFE80]  }
0xf7: {  	v4 =	vld [tilespmem:s24+$0xFFFFFE40]  }
0xf8: {  	v8 =	vld [tilespmem:s10+$0xFFFFFE40]  }
0xf9: {  	v62 =	vld [tilespmem:s24+$0xFFFFFEC0]  }
0xfa: {  	[tilespmem:s30+$0xFFFFFEF0] =	vst v2;
	v1 =	vadd.f32 v1, v60;
	v2 =	vld [tilespmem:s10+$0xFFFFFEC0]  }
0xfb: {  	v9 =	vadd.f32 v54, v53;
	v63 =	vld [tilespmem:s24+$0xFFFFFF00]  }
0xfc: {  	[tilespmem:s30+$0xFFFFFF30] =	vst v1;
	v1 =	vadd.f32 v0, v7;
	v7 =	vld [tilespmem:s10+$0xFFFFFF00]  }
0xfd: {  	[tilespmem:s30+$0x0] =	vst v9;
	v6 =	vadd.f32 v3, v6;
	v0 =	vld [tilespmem:s24+$0xFFFFFF40]  }
0xfe: {  	v3 =	vld [tilespmem:s10+$0xFFFFFF40];
	[tilespmem:s30+$0xFFFFFF70] =	vst v1;
	v4 =	vadd.f32 v8, v4  }
0xff: {  	[tilespmem:s30+$0xFFFFFFB0] =	vst v6;
	v1 =	vld [tilespmem:s24+$0xFFFFFF80];
	v6 =	vadd.f32 v2, v62  }
0x100: {  	v5 =	vadd.f32 v5, v61;
	[tilespmem:s30+$0xFFFFFE40] =	vst v4;
	v4 =	vld [tilespmem:s10+$0xFFFFFF80]  }
0x101: {  	s28 =	sadd.s32 s8, s2;
	v2 =	vld [tilespmem:s24+$0xFFFFFFC0];
	[tilespmem:s30+$0xFFFFFEC0] =	vst v6;
	v6 =	vadd.f32 v7, v63  }
0x102: {  	s18 =	simm.s32 $0x0;
	s1 =	sadd.s32 $0x1, s28;
	[tilespmem:s30+$0xFFFFFE80] =	vst v5;
	v5 =	vld [tilespmem:s10+$0xFFFFFFC0];
	s24 =	simm.s32 $0xD7F0  }
.LBB2_5:
0x103: {  	v7 =	vld [tilespmem:s24+$0xFFFFFFD0];
	[tilespmem:s30+$0xFFFFFF00] =	vst v6;
	v0 =	vadd.f32 v3, v0;
	s10 =	sadd.s32 $0x200, s10  }
0x104: {  	v3 =	vld [tilespmem:s10+$0xFFFFFFD0]  }
0x105: {  	v6 =	vld [tilespmem:s10+$0xFFFFFE10];
	[tilespmem:s30+$0xFFFFFF40] =	vst v0;
	v0 =	vadd.f32 v4, v1  }
0x106: {  	v1 =	vld [tilespmem:s24+$0xFFFFFE50]  }
0x107: {  	s18 =	sadd.s32 $0x8, s18;
	v4 =	vld [tilespmem:s10+$0xFFFFFE50];
	[tilespmem:s30+$0xFFFFFF80] =	vst v0;
	v0 =	vadd.f32 v5, v2  }
0x108: {  	p1 =	slt.u32 s18, $0x78;
	v2 =	vld [tilespmem:s24+$0xFFFFFE90]  }
0x109: {  	v5 =	vld [tilespmem:s10+$0xFFFFFE90];
	v3 =	vadd.f32 v3, v7;
	[tilespmem:s30+$0xFFFFFFC0] =	vst v0  }
0x10a: {  	s30 =	sadd.s32 $0x200, s30;
	v0 =	vld [tilespmem:s24+$0xFFFFFED0]  }
0x10b: {  	v7 =	vld [tilespmem:s10+$0xFFFFFED0];
	[tilespmem:s30+$0xFFFFFFD0] =	vst v3  }
0x10c: {  	v1 =	vadd.f32 v4, v1;
	v3 =	vld [tilespmem:s24+$0xFFFFFFE0]  }
0x10d: {  	v4 =	vld [tilespmem:s10+$0xFFFFFFE0]  }
0x10e: {  	[tilespmem:s30+$0xFFFFFE50] =	vst v1;
	v1 =	vadd.f32 v5, v2;
	v2 =	vld [tilespmem:s24+$0xFFFFFF10]  }
0x10f: {  	v5 =	vld [tilespmem:s10+$0xFFFFFF10]  }
0x110: {  	[tilespmem:s30+$0xFFFFFE90] =	vst v1;
	v0 =	vadd.f32 v7, v0;
	v1 =	vld [tilespmem:s24+$0xFFFFFF50]  }
0x111: {  	v7 =	vld [tilespmem:s10+$0xFFFFFF50]  }
0x112: {  	[tilespmem:s30+$0xFFFFFED0] =	vst v0;
	v0 =	vld [tilespmem:s24+$0xFFFFFF90];
	v3 =	vadd.f32 v4, v3  }
0x113: {  	v4 =	vld [tilespmem:s10+$0xFFFFFF90]  }
0x114: {  	v8 =	vld [tilespmem:s24+$0xFFFFFE10];
	v2 =	vadd.f32 v5, v2;
	[tilespmem:s30+$0xFFFFFFE0] =	vst v3  }
0x115: {  	v3 =	vld [tilespmem:s24+$0xFFFFFFF0]  }
0x116: {  	[tilespmem:s30+$0xFFFFFF10] =	vst v2;
	v1 =	vadd.f32 v7, v1;
	v2 =	vld [tilespmem:s10+$0xFFFFFFF0]  }
0x117: {  	v5 =	vld [tilespmem:s24+$0xFFFFFE60]  }
0x118: {  	v7 =	vld [tilespmem:s10+$0xFFFFFE60];
	[tilespmem:s30+$0xFFFFFF50] =	vst v1;
	v0 =	vadd.f32 v4, v0  }
0x119: {  	v1 =	vadd.f32 v6, v8;
	v4 =	vld [tilespmem:s24+$0xFFFFFEA0]  }
0x11a: {  	v6 =	vld [tilespmem:s10+$0xFFFFFEA0];
	[tilespmem:s30+$0xFFFFFF90] =	vst v0  }
0x11b: {  	[tilespmem:s30+$0xFFFFFE10] =	vst v1;
	v0 =	vld [tilespmem:s24+$0xFFFFFEE0];
	v1 =	vadd.f32 v2, v3  }
0x11c: {  	v2 =	vld [tilespmem:s24+$0xFFFFFE20]  }
0x11d: {  	v3 =	vld [tilespmem:s10+$0xFFFFFE20];
	v5 =	vadd.f32 v7, v5;
	[tilespmem:s30+$0xFFFFFFF0] =	vst v1  }
0x11e: {  	v1 =	vld [tilespmem:s24+$0x0]  }
0x11f: {  	[tilespmem:s30+$0xFFFFFE60] =	vst v5;
	v4 =	vadd.f32 v6, v4;
	v5 =	vld [tilespmem:s10+$0x0]  }
0x120: {  	v6 =	vld [tilespmem:s10+$0xFFFFFEE0]  }
0x121: {  	[tilespmem:s30+$0xFFFFFEA0] =	vst v4;
	v4 =	vld [tilespmem:s24+$0xFFFFFF20]  }
0x122: {  	v2 =	vadd.f32 v3, v2;
	v3 =	vld [tilespmem:s10+$0xFFFFFF20]  }
0x123: {  	v7 =	vld [tilespmem:s24+$0xFFFFFF60]  }
0x124: {  	[tilespmem:s30+$0xFFFFFE20] =	vst v2;
	v2 =	vld [tilespmem:s10+$0xFFFFFF60];
	v1 =	vadd.f32 v5, v1  }
0x125: {  	v0 =	vadd.f32 v6, v0;
	v5 =	vld [tilespmem:s24+$0xFFFFFFA0]  }
0x126: {  	v6 =	vld [tilespmem:s10+$0xFFFFFFA0];
	[tilespmem:s30+$0x0] =	vst v1  }
0x127: {  	v1 =	vld [tilespmem:s24+$0xFFFFFE30];
	[tilespmem:s30+$0xFFFFFEE0] =	vst v0;
	v0 =	vadd.f32 v3, v4  }
0x128: {  	v3 =	vld [tilespmem:s10+$0xFFFFFE30]  }
0x129: {  	v4 =	vld [tilespmem:s24+$0xFFFFFE70];
	[tilespmem:s30+$0xFFFFFF20] =	vst v0;
	v0 =	vadd.f32 v2, v7  }
0x12a: {  	v2 =	vld [tilespmem:s10+$0xFFFFFE70]  }
0x12b: {  	v7 =	vld [tilespmem:s24+$0xFFFFFEB0];
	[tilespmem:s30+$0xFFFFFF60] =	vst v0;
	v0 =	vadd.f32 v6, v5  }
0x12c: {  	v5 =	vld [tilespmem:s10+$0xFFFFFEB0]  }
0x12d: {  	v1 =	vadd.f32 v3, v1;
	v3 =	vld [tilespmem:s24+$0xFFFFFEF0];
	[tilespmem:s30+$0xFFFFFFA0] =	vst v0  }
0x12e: {  	v0 =	vld [tilespmem:s10+$0xFFFFFEF0]  }
0x12f: {  	[tilespmem:s30+$0xFFFFFE30] =	vst v1;
	v1 =	vadd.f32 v2, v4;
	v2 =	vld [tilespmem:s24+$0xFFFFFF30]  }
0x130: {  	v4 =	vld [tilespmem:s10+$0xFFFFFF30]  }
0x131: {  	[tilespmem:s30+$0xFFFFFE70] =	vst v1;
	v1 =	vadd.f32 v5, v7;
	v5 =	vld [tilespmem:s24+$0xFFFFFF70]  }
0x132: {  	v6 =	vld [tilespmem:s10+$0xFFFFFF70]  }
0x133: {  	[tilespmem:s30+$0xFFFFFEB0] =	vst v1;
	v0 =	vadd.f32 v0, v3;
	v1 =	vld [tilespmem:s24+$0xFFFFFFB0]  }
0x134: {  	v3 =	vld [tilespmem:s10+$0xFFFFFFB0]  }
0x135: {  	v7 =	vld [tilespmem:s24+$0xFFFFFE40];
	[tilespmem:s30+$0xFFFFFEF0] =	vst v0;
	v0 =	vadd.f32 v4, v2  }
0x136: {  	v2 =	vld [tilespmem:s10+$0xFFFFFE40]  }
0x137: {  	v4 =	vld [tilespmem:s24+$0xFFFFFE80];
	[tilespmem:s30+$0xFFFFFF30] =	vst v0;
	v0 =	vadd.f32 v6, v5  }
0x138: {  	v5 =	vld [tilespmem:s10+$0xFFFFFE80]  }
0x139: {  	v6 =	vld [tilespmem:s24+$0xFFFFFEC0];
	[tilespmem:s30+$0xFFFFFF70] =	vst v0;
	v0 =	vadd.f32 v3, v1  }
0x13a: {  	v1 =	vld [tilespmem:s10+$0xFFFFFEC0]  }
0x13b: {  	v2 =	vadd.f32 v2, v7;
	v7 =	vld [tilespmem:s24+$0xFFFFFF00];
	[tilespmem:s30+$0xFFFFFFB0] =	vst v0  }
0x13c: {  	v8 =	vld [tilespmem:s10+$0xFFFFFF00]  }
0x13d: {  	[tilespmem:s30+$0xFFFFFE40] =	vst v2;
	v2 =	vadd.f32 v5, v4;
	v0 =	vld [tilespmem:s24+$0xFFFFFF40]  }
.Ltmp1:
0x13e: {  	v3 =	vld [tilespmem:s10+$0xFFFFFF40];
	(pc) =	sbr.rel @p1 .LBB2_5-.Ltmp1, $4  }
0x13f: {  	[tilespmem:s30+$0xFFFFFE80] =	vst v2;
	v2 =	vadd.f32 v1, v6;
	v1 =	vld [tilespmem:s24+$0xFFFFFF80]  }
0x140: {  	v4 =	vld [tilespmem:s10+$0xFFFFFF80]  }
0x141: {  	[tilespmem:s30+$0xFFFFFEC0] =	vst v2;
	v6 =	vadd.f32 v8, v7;
	v2 =	vld [tilespmem:s24+$0xFFFFFFC0]  }
0x142: {  	s24 =	sadd.s32 $0x200, s24;
	v5 =	vld [tilespmem:s10+$0xFFFFFFC0]  }
0x143: {  	_ =	sdelay $0x1  }
0x144: {  	v0 =	vadd.f32 v3, v0;
	s10 =	sadd.s32 $0x4, s8  }
0x145: {  	[tilespmem:s30+$0xFFFFFF00] =	vst v6;
	p1 =	seq.s32 s10, $0xC8;
	s10 =	sshll.u32 s10, $0x9;
	v1 =	vadd.f32 v4, v1  }
0x146: {  	[tilespmem:s30+$0xFFFFFF40] =	vst v0;
	s10 =	simm.s32 @p1 $0x0;
	v0 =	vadd.f32 v5, v2  }
0x147: {  	s1 =	sshll.u32 s1, $0xB;
	s10 =	sshrl.u32 s10, $0x2;
	[tilespmem:s30+$0xFFFFFF80] =	vst v1  }
0x148: {  	s1 =	sand.u32 $0x1FFFE800, s1;
	s10 =	sadd.s32 $0x5000, s10;
	[tilespmem:s30+$0xFFFFFFC0] =	vst v0  }
0x149: {  	[tilespmem:s21], [sflag:$0x1] =	stream.indirect.gather [hbm4b:s4+s20], $0x40, s10, s20, $0xb8;
	[tilespmem:$0x1B400] =	vst v63  }
0x14a: {  	s1 =	sadd.s32 s6, s1;
	s30 =	simm.s32 $0x15400  }
0x14b: {  	[hbm4b:s1+s29] =	stream.strided.scatter [tilespmem:s30], [sflag:$0x6], $0x2000, s20, s29, $0x38;
	[tilespmem:$0x1B400] =	vst v63  }
0x14c: {  	_ =	swait.ge [sflag:s0], $0x2000  }
0x14d: {  	v0 =	vmov s17;
	[sflag:s0] =	ssyncset.done $0x0  }
0x14e: {  	s1 =	simm.s32 @!p0 $0x7;
	[sflag:s0] =	ssyncadd.s32 $0xFFFFE000  }
0x14f: {  	_ =	swait.ge @!p0 [sflag:s1], $0x2000  }
0x150: {  	[sflag:s1] =	ssyncset.done @!p0 $0x0  }
0x151: {  	s10 =	simm.s32 $0x0;
	[sflag:s1] =	ssyncadd.s32 @!p0 $0xFFFFE000  }
0x152: {  	v1 =	vld.idx.msk [tilespmem:v0+s10+$0xC0 ss:$0x1], $0xffff  }
0x153: {  	v2 =	vld [tilespmem:s10+$0xF5C0]  }
0x154: {  	v3 =	vld.idx.msk [tilespmem:v0+s10+$0xFFFFFF00 ss:$0x1], $0xffff  }
0x155: {  	v4 =	vld.idx.msk [tilespmem:v0+s10+$0xFFFFFF40 ss:$0x1], $0xffff  }
0x156: {  	v5 =	vld.idx.msk [tilespmem:v0+s10+$0xFFFFFF80 ss:$0x1], $0xffff  }
0x157: {  	v6 =	vld.idx.msk [tilespmem:v0+s10+$0xFFFFFFC0 ss:$0x1], $0xffff  }
0x158: {  	v7 =	vld.idx.msk [tilespmem:v0+s10+$0x0 ss:$0x1], $0xffff  }
0x159: {  	v8 =	vld.idx.msk [tilespmem:v0+s10+$0x80 ss:$0x1], $0xffff  }
0x15a: {  	v9 =	vld [tilespmem:s10+$0xF5D0]  }
0x15b: {  	v10 =	vld [tilespmem:s10+$0xF400]  }
0x15c: {  	v11 =	vld [tilespmem:s10+$0xF440]  }
0x15d: {  	v12 =	vld [tilespmem:s10+$0xF480]  }
0x15e: {  	v13 =	vld [tilespmem:s10+$0xF4C0]  }
0x15f: {  	v14 =	vld [tilespmem:s10+$0xF500]  }
0x160: {  	v56 =	vld [tilespmem:s10+$0xF490]  }
0x161: {  	v57 =	vld [tilespmem:s10+$0xF4D0]  }
0x162: {  	v58 =	vld [tilespmem:s10+$0xF510]  }
0x163: {  	v60 =	vld [tilespmem:s10+$0xF4E0];
	v1 =	vadd.f32 v1, v2  }
0x164: {  	v61 =	vld [tilespmem:s10+$0xF520]  }
0x165: {  	v3 =	vadd.f32 v3, v10;
	v10 =	vld [tilespmem:s10+$0xF580];
	[tilespmem:s10+$0x175C0] =	vst v1  }
0x166: {  	v1 =	vld.idx.msk [tilespmem:v0+s10+$0xD0 ss:$0x1], $0xffff  }
0x167: {  	v62 =	vld [tilespmem:s10+$0xF560];
	[tilespmem:s10+$0x17400] =	vst v3;
	v3 =	vadd.f32 v5, v12  }
0x168: {  	v15 =	vld [tilespmem:s10+$0xF430]  }
0x169: {  	v2 =	vld.idx.msk [tilespmem:v0+s10+$0x40 ss:$0x1], $0xffff;
	[tilespmem:s10+$0x17480] =	vst v3;
	v3 =	vadd.f32 v7, v14  }
0x16a: {  	v5 =	vld [tilespmem:s10+$0xF5E0]  }
0x16b: {  	[tilespmem:s10+$0x17500] =	vst v3;
	v3 =	vadd.f32 v8, v10;
	v10 =	vld [tilespmem:s10+$0xF5F0];
	v1 =	vadd.f32 v1, v9  }
0x16c: {  	v9 =	vld [tilespmem:s10+$0xF540]  }
0x16d: {  	[tilespmem:s10+$0x175D0] =	vst v1;
	v1 =	vadd.f32 v4, v11;
	v11 =	vld [tilespmem:s10+$0xF450]  }
0x16e: {  	v4 =	vld.idx.msk [tilespmem:v0+s10+$0xE0 ss:$0x1], $0xffff  }
0x16f: {  	[tilespmem:s10+$0x17440] =	vst v1;
	v1 =	vadd.f32 v6, v13;
	v6 =	vld.idx.msk [tilespmem:v0+s10+$0xFFFFFF10 ss:$0x1], $0xffff  }
0x170: {  	v7 =	vld.idx.msk [tilespmem:v0+s10+$0xFFFFFF50 ss:$0x1], $0xffff  }
0x171: {  	[tilespmem:s10+$0x174C0] =	vst v1;
	v1 =	vadd.f32 v2, v9;
	v2 =	vld.idx.msk [tilespmem:v0+s10+$0xFFFFFF90 ss:$0x1], $0xffff  }
0x172: {  	[tilespmem:s10+$0x17580] =	vst v3;
	v8 =	vld.idx.msk [tilespmem:v0+s10+$0xFFFFFFD0 ss:$0x1], $0xffff  }
0x173: {  	[tilespmem:s10+$0x17540] =	vst v1;
	v1 =	vld.idx.msk [tilespmem:v0+s10+$0x10 ss:$0x1], $0xffff;
	v4 =	vadd.f32 v4, v5  }
0x174: {  	v5 =	vld.idx.msk [tilespmem:v0+s10+$0x90 ss:$0x1], $0xffff  }
0x175: {  	[tilespmem:s10+$0x175E0] =	vst v4;
	v4 =	vld [tilespmem:s10+$0xF410]  }
0x176: {  	v7 =	vadd.f32 v7, v11;
	v11 =	vld [tilespmem:s10+$0xF590];
	v2 =	vadd.f32 v2, v56  }
0x177: {  	v3 =	vld.idx.msk [tilespmem:v0+s10+$0x50 ss:$0x1], $0xffff  }
0x178: {  	v9 =	vld.idx.msk [tilespmem:v0+s10+$0xF0 ss:$0x1], $0xffff;
	[tilespmem:s10+$0x17490] =	vst v2  }
0x179: {  	v1 =	vadd.f32 v1, v58;
	v2 =	vld.idx.msk [tilespmem:v0+s10+$0xFFFFFFA0 ss:$0x1], $0xffff  }
0x17a: {  	v4 =	vadd.f32 v6, v4;
	v6 =	vld [tilespmem:s10+$0xF550]  }
0x17b: {  	[tilespmem:s10+$0x17510] =	vst v1;
	v1 =	vadd.f32 v5, v11;
	v11 =	vld [tilespmem:s10+$0xF4A0]  }
0x17c: {  	v5 =	vld.idx.msk [tilespmem:v0+s10+$0x20 ss:$0x1], $0xffff  }
0x17d: {  	[tilespmem:s10+$0x17410] =	vst v4;
	v4 =	vld [tilespmem:s10+$0xF420]  }
0x17e: {  	[tilespmem:s10+$0x17450] =	vst v7;
	v7 =	vadd.f32 v8, v57;
	v59 =	vld.idx.msk [tilespmem:v0+s10+$0xFFFFFF20 ss:$0x1], $0xffff  }
0x17f: {  	v8 =	vld.idx.msk [tilespmem:v0+s10+$0xFFFFFF60 ss:$0x1], $0xffff  }
0x180: {  	[tilespmem:s10+$0x174D0] =	vst v7;
	v7 =	vld [tilespmem:s10+$0xF460];
	v3 =	vadd.f32 v3, v6  }
0x181: {  	[tilespmem:s10+$0x17590] =	vst v1;
	v6 =	vld.idx.msk [tilespmem:v0+s10+$0xFFFFFFE0 ss:$0x1], $0xffff;
	v2 =	vadd.f32 v2, v11  }
0x182: {  	v1 =	vld.idx.msk [tilespmem:v0+s10+$0xA0 ss:$0x1], $0xffff;
	v11 =	vadd.f32 v5, v61;
	[tilespmem:s10+$0x17550] =	vst v3  }
0x183: {  	[tilespmem:s10+$0x174A0] =	vst v2;
	v3 =	vld.idx.msk [tilespmem:v0+s10+$0x60 ss:$0x1], $0xffff;
	v4 =	vadd.f32 v59, v4  }
0x184: {  	v2 =	vld.idx.msk [tilespmem:v0+s10+$0xFFFFFFB0 ss:$0x1], $0xffff;
	[tilespmem:s10+$0x17520] =	vst v11  }
0x185: {  	v11 =	vld [tilespmem:s10+$0xF470];
	[tilespmem:s10+$0x17420] =	vst v4;
	v4 =	vadd.f32 v8, v7  }
0x186: {  	v7 =	vld [tilespmem:s10+$0xF5A0];
	v6 =	vadd.f32 v6, v60  }
0x187: {  	v8 =	vld.idx.msk [tilespmem:v0+s10+$0xFFFFFF30 ss:$0x1], $0xffff;
	[tilespmem:s10+$0x17460] =	vst v4  }
0x188: {  	[tilespmem:s10+$0x174E0] =	vst v6;
	v6 =	vld.idx.msk [tilespmem:v0+s10+$0x30 ss:$0x1], $0xffff  }
0x189: {  	v4 =	vld.idx.msk [tilespmem:v0+s10+$0xFFFFFF70 ss:$0x1], $0xffff  }
0x18a: {  	v3 =	vadd.f32 v3, v62;
	v5 =	vld.idx.msk [tilespmem:v0+s10+$0xFFFFFFF0 ss:$0x1], $0xffff  }
0x18b: {  	v1 =	vadd.f32 v1, v7;
	v7 =	vadd.f32 v9, v10;
	v10 =	vld [tilespmem:s10+$0xF4B0]  }
0x18c: {  	[tilespmem:s10+$0x17560] =	vst v3;
	v9 =	vld [tilespmem:s10+$0xF4F0]  }
0x18d: {  	v3 =	vld.idx.msk [tilespmem:v0+s10+$0x70 ss:$0x1], $0xffff  }
0x18e: {  	v63 =	vadd.f32 v8, v15;
	v8 =	vld [tilespmem:s10+$0xF530];
	[tilespmem:s10+$0x175A0] =	vst v1  }
0x18f: {  	[tilespmem:s10+$0x175F0] =	vst v7;
	v7 =	vld [tilespmem:s10+$0xF570]  }
0x190: {  	s18 =	simm.s32 $0x800;
	s17 =	sadd.s32 $0x2, s28;
	s1 =	simm.s32 $0x0;
	v1 =	vld.idx.msk [tilespmem:v0+s10+$0xB0 ss:$0x1], $0xffff;
	[tilespmem:s10+$0x17430] =	vst v63  }
.LBB2_7:
0x191: {  	s24 =	sshra.s32 s18, $0x2;
	s1 =	sadd.s32 $0x8, s1;
	v4 =	vadd.f32 v4, v11;
	v11 =	vld [tilespmem:s10+$0xF5B0]  }
0x192: {  	v12 =	vld.idx.msk [tilespmem:v0+s24+$0xC0 ss:$0x1], $0xffff;
	p1 =	slt.u32 s1, $0x78;
	v2 =	vadd.f32 v2, v10  }
0x193: {  	v10 =	vld [tilespmem:s24+$0xF5C0];
	[tilespmem:s10+$0x17470] =	vst v4;
	v4 =	vadd.f32 v5, v9  }
0x194: {  	v5 =	vld.idx.msk [tilespmem:v0+s24+$0xFFFFFF00 ss:$0x1], $0xffff;
	[tilespmem:s10+$0x174B0] =	vst v2;
	v2 =	vadd.f32 v6, v8  }
0x195: {  	v6 =	vld.idx.msk [tilespmem:v0+s24+$0xFFFFFF40 ss:$0x1], $0xffff;
	[tilespmem:s10+$0x174F0] =	vst v4;
	v3 =	vadd.f32 v3, v7  }
0x196: {  	v4 =	vld.idx.msk [tilespmem:v0+s24+$0xFFFFFF80 ss:$0x1], $0xffff;
	[tilespmem:s10+$0x17530] =	vst v2;
	v1 =	vadd.f32 v1, v11  }
0x197: {  	v2 =	vld.idx.msk [tilespmem:v0+s24+$0xFFFFFFC0 ss:$0x1], $0xffff;
	[tilespmem:s10+$0x17570] =	vst v3  }
0x198: {  	v3 =	vld.idx.msk [tilespmem:v0+s24+$0x0 ss:$0x1], $0xffff;
	v7 =	vadd.f32 v12, v10;
	[tilespmem:s10+$0x175B0] =	vst v1;
	s10 =	smov.u32 s24  }
0x199: {  	v1 =	vld.idx.msk [tilespmem:v0+s10+$0x40 ss:$0x1], $0xffff  }
0x19a: {  	v8 =	vld.idx.msk [tilespmem:v0+s10+$0x80 ss:$0x1], $0xffff;
	[tilespmem:s10+$0x175C0] =	vst v7  }
0x19b: {  	v7 =	vld.idx.msk [tilespmem:v0+s10+$0xD0 ss:$0x1], $0xffff  }
0x19c: {  	v9 =	vld [tilespmem:s10+$0xF5D0]  }
0x19d: {  	v10 =	vld [tilespmem:s10+$0xF400]  }
0x19e: {  	v11 =	vld [tilespmem:s10+$0xF440]  }
0x19f: {  	v12 =	vld [tilespmem:s10+$0xF480]  }
0x1a0: {  	v13 =	vld [tilespmem:s10+$0xF4C0]  }
0x1a1: {  	v14 =	vld [tilespmem:s10+$0xF500];
	v7 =	vadd.f32 v7, v9  }
0x1a2: {  	v5 =	vadd.f32 v5, v10;
	v9 =	vld [tilespmem:s10+$0xF540]  }
0x1a3: {  	v6 =	vadd.f32 v6, v11;
	v10 =	vld [tilespmem:s10+$0xF580];
	[tilespmem:s10+$0x175D0] =	vst v7  }
0x1a4: {  	[tilespmem:s10+$0x17400] =	vst v5;
	v4 =	vadd.f32 v4, v12;
	v5 =	vld.idx.msk [tilespmem:v0+s10+$0xE0 ss:$0x1], $0xffff  }
0x1a5: {  	[tilespmem:s10+$0x17440] =	vst v6;
	v2 =	vadd.f32 v2, v13;
	v6 =	vld [tilespmem:s10+$0xF5E0]  }
0x1a6: {  	v7 =	vld.idx.msk [tilespmem:v0+s10+$0xFFFFFF10 ss:$0x1], $0xffff;
	[tilespmem:s10+$0x17480] =	vst v4;
	v3 =	vadd.f32 v3, v14  }
0x1a7: {  	v4 =	vld.idx.msk [tilespmem:v0+s10+$0xFFFFFF50 ss:$0x1], $0xffff;
	[tilespmem:s10+$0x174C0] =	vst v2;
	v1 =	vadd.f32 v1, v9  }
0x1a8: {  	v2 =	vld.idx.msk [tilespmem:v0+s10+$0xFFFFFF90 ss:$0x1], $0xffff;
	[tilespmem:s10+$0x17500] =	vst v3;
	v3 =	vadd.f32 v8, v10  }
0x1a9: {  	v8 =	vld.idx.msk [tilespmem:v0+s10+$0xFFFFFFD0 ss:$0x1], $0xffff;
	[tilespmem:s10+$0x17540] =	vst v1  }
0x1aa: {  	v1 =	vld.idx.msk [tilespmem:v0+s10+$0x10 ss:$0x1], $0xffff;
	[tilespmem:s10+$0x17580] =	vst v3;
	v3 =	vadd.f32 v5, v6  }
0x1ab: {  	v5 =	vld.idx.msk [tilespmem:v0+s10+$0x50 ss:$0x1], $0xffff  }
0x1ac: {  	v6 =	vld.idx.msk [tilespmem:v0+s10+$0x90 ss:$0x1], $0xffff;
	[tilespmem:s10+$0x175E0] =	vst v3  }
0x1ad: {  	v3 =	vld.idx.msk [tilespmem:v0+s10+$0xF0 ss:$0x1], $0xffff  }
0x1ae: {  	v9 =	vld [tilespmem:s10+$0xF5F0]  }
0x1af: {  	v10 =	vld [tilespmem:s10+$0xF410]  }
0x1b0: {  	v11 =	vld [tilespmem:s10+$0xF450]  }
0x1b1: {  	v12 =	vld [tilespmem:s10+$0xF490]  }
0x1b2: {  	v13 =	vld [tilespmem:s10+$0xF4D0]  }
0x1b3: {  	v14 =	vld [tilespmem:s10+$0xF510];
	v3 =	vadd.f32 v3, v9  }
0x1b4: {  	v7 =	vadd.f32 v7, v10;
	v9 =	vld [tilespmem:s10+$0xF550]  }
0x1b5: {  	v4 =	vadd.f32 v4, v11;
	v10 =	vld [tilespmem:s10+$0xF590];
	[tilespmem:s10+$0x175F0] =	vst v3  }
0x1b6: {  	[tilespmem:s10+$0x17410] =	vst v7;
	v3 =	vld [tilespmem:s10+$0xF420];
	v2 =	vadd.f32 v2, v12  }
0x1b7: {  	v7 =	vld.idx.msk [tilespmem:v0+s10+$0xFFFFFF20 ss:$0x1], $0xffff;
	[tilespmem:s10+$0x17450] =	vst v4;
	v4 =	vadd.f32 v8, v13  }
0x1b8: {  	v8 =	vld.idx.msk [tilespmem:v0+s10+$0xFFFFFF60 ss:$0x1], $0xffff;
	[tilespmem:s10+$0x17490] =	vst v2;
	v1 =	vadd.f32 v1, v14  }
0x1b9: {  	v2 =	vld.idx.msk [tilespmem:v0+s10+$0xFFFFFFA0 ss:$0x1], $0xffff;
	[tilespmem:s10+$0x174D0] =	vst v4;
	v4 =	vadd.f32 v5, v9  }
0x1ba: {  	v5 =	vld.idx.msk [tilespmem:v0+s10+$0xFFFFFFE0 ss:$0x1], $0xffff;
	[tilespmem:s10+$0x17510] =	vst v1;
	v1 =	vadd.f32 v6, v10  }
0x1bb: {  	v6 =	vld.idx.msk [tilespmem:v0+s10+$0x20 ss:$0x1], $0xffff;
	[tilespmem:s10+$0x17550] =	vst v4  }
0x1bc: {  	v9 =	vld.idx.msk [tilespmem:v0+s10+$0x60 ss:$0x1], $0xffff;
	[tilespmem:s10+$0x17590] =	vst v1  }
0x1bd: {  	v1 =	vadd.f32 v7, v3;
	v3 =	vld.idx.msk [tilespmem:v0+s10+$0xA0 ss:$0x1], $0xffff  }
0x1be: {  	v4 =	vld [tilespmem:s10+$0xF460]  }
0x1bf: {  	[tilespmem:s10+$0x17420] =	vst v1;
	v1 =	vld [tilespmem:s10+$0xF4A0]  }
0x1c0: {  	v7 =	vld [tilespmem:s10+$0xF4E0]  }
0x1c1: {  	v10 =	vld [tilespmem:s10+$0xF520]  }
0x1c2: {  	v11 =	vld [tilespmem:s10+$0xF560]  }
0x1c3: {  	v4 =	vadd.f32 v8, v4;
	v8 =	vld [tilespmem:s10+$0xF5A0]  }
0x1c4: {  	v12 =	vld.idx.msk [tilespmem:v0+s10+$0xFFFFFF30 ss:$0x1], $0xffff;
	v1 =	vadd.f32 v2, v1  }
0x1c5: {  	v13 =	vld [tilespmem:s10+$0xF430];
	[tilespmem:s10+$0x17460] =	vst v4;
	v5 =	vadd.f32 v5, v7  }
0x1c6: {  	v4 =	vld.idx.msk [tilespmem:v0+s10+$0xFFFFFF70 ss:$0x1], $0xffff;
	[tilespmem:s10+$0x174A0] =	vst v1;
	v1 =	vadd.f32 v6, v10  }
0x1c7: {  	v2 =	vld.idx.msk [tilespmem:v0+s10+$0xFFFFFFB0 ss:$0x1], $0xffff;
	[tilespmem:s10+$0x174E0] =	vst v5;
	v7 =	vadd.f32 v9, v11  }
0x1c8: {  	v5 =	vld.idx.msk [tilespmem:v0+s10+$0xFFFFFFF0 ss:$0x1], $0xffff;
	[tilespmem:s10+$0x17520] =	vst v1;
	v1 =	vadd.f32 v3, v8  }
0x1c9: {  	v6 =	vld.idx.msk [tilespmem:v0+s10+$0x30 ss:$0x1], $0xffff;
	[tilespmem:s10+$0x17560] =	vst v7  }
0x1ca: {  	v7 =	vadd.f32 v12, v13;
	v3 =	vld.idx.msk [tilespmem:v0+s10+$0x70 ss:$0x1], $0xffff;
	[tilespmem:s10+$0x175A0] =	vst v1  }
0x1cb: {  	v1 =	vld.idx.msk [tilespmem:v0+s10+$0xB0 ss:$0x1], $0xffff  }
.Ltmp2:
0x1cc: {  	[tilespmem:s10+$0x17430] =	vst v7;
	v11 =	vld [tilespmem:s10+$0xF470];
	(pc) =	sbr.rel @p1 .LBB2_7-.Ltmp2, $4  }
0x1cd: {  	v10 =	vld [tilespmem:s10+$0xF4B0]  }
0x1ce: {  	v9 =	vld [tilespmem:s10+$0xF4F0]  }
0x1cf: {  	v8 =	vld [tilespmem:s10+$0xF530]  }
0x1d0: {  	s18 =	sadd.s32 $0x800, s18;
	v7 =	vld [tilespmem:s10+$0xF570]  }
0x1d1: {  	s1 =	sadd.s32 $0x5, s8  }
0x1d2: {  	v0 =	vadd.f32 v4, v11;
	v4 =	vld [tilespmem:s10+$0xF5B0];
	s18 =	smulhi.u32 $0x51EB851F, s1  }
0x1d3: {  	v2 =	vadd.f32 v2, v10  }
0x1d4: {  	[tilespmem:s10+$0x17470] =	vst v0;
	v0 =	vadd.f32 v5, v9;
	s18 =	sshrl.u32 s18, $0x6  }
0x1d5: {  	[tilespmem:s10+$0x174B0] =	vst v2;
	v2 =	vadd.f32 v6, v8;
	s18 =	smul.u32 $0xC8, s18  }
0x1d6: {  	[tilespmem:s10+$0x174F0] =	vst v0;
	v0 =	vadd.f32 v3, v7  }
0x1d7: {  	[tilespmem:s10+$0x17530] =	vst v2;
	v1 =	vadd.f32 v1, v4;
	s1 =	ssub.s32 s1, s18  }
0x1d8: {  	[tilespmem:s10+$0x17570] =	vst v0;
	s1 =	sshll.u32 s1, $0x7  }
0x1d9: {  	s28 =	sshll.u32 s17, $0xB;
	[tilespmem:s10+$0x175B0] =	vst v1;
	s1 =	sadd.s32 $0x5000, s1  }
0x1da: {  	[tilespmem:s23], [sflag:$0x2] =	stream.indirect.gather [hbm4b:s4+s20], $0x40, s1, s20, $0xb8;
	[tilespmem:$0x1B400] =	vst v63  }
0x1db: {  	s1 =	sand.u32 $0x1FFFF000, s28  }
0x1dc: {  	s30 =	simm.s32 $0x17400;
	s1 =	sadd.s32 s6, s1  }
0x1dd: {  	[hbm4b:s1+s29] =	stream.strided.scatter [tilespmem:s30], [sflag:$0x7], $0x2000, s20, s29, $0x38;
	[tilespmem:$0x1B400] =	vst v63  }
0x1de: {  	_ =	swait.ge [sflag:s22], $0x2000  }
0x1df: {  	v0 =	vmov s9;
	[sflag:s22] =	ssyncset.done $0x0  }
0x1e0: {  	s1 =	simm.s32 @!p0 $0x8;
	[sflag:s22] =	ssyncadd.s32 $0xFFFFE000  }
0x1e1: {  	_ =	swait.ge @!p0 [sflag:s1], $0x2000  }
0x1e2: {  	[sflag:s1] =	ssyncset.done @!p0 $0x0  }
0x1e3: {  	s9 =	simm.s32 $0x0;
	[sflag:s1] =	ssyncadd.s32 @!p0 $0xFFFFE000  }
0x1e4: {  	v1 =	vld.idx.msk [tilespmem:v0+s9+$0xC0 ss:$0x1], $0xffff  }
0x1e5: {  	v2 =	vld [tilespmem:s9+$0x115C0]  }
0x1e6: {  	v3 =	vld.idx.msk [tilespmem:v0+s9+$0xFFFFFF00 ss:$0x1], $0xffff  }
0x1e7: {  	v4 =	vld.idx.msk [tilespmem:v0+s9+$0xFFFFFF40 ss:$0x1], $0xffff  }
0x1e8: {  	v5 =	vld.idx.msk [tilespmem:v0+s9+$0xFFFFFF80 ss:$0x1], $0xffff  }
0x1e9: {  	v6 =	vld.idx.msk [tilespmem:v0+s9+$0xFFFFFFC0 ss:$0x1], $0xffff  }
0x1ea: {  	v7 =	vld.idx.msk [tilespmem:v0+s9+$0x0 ss:$0x1], $0xffff  }
0x1eb: {  	v8 =	vld.idx.msk [tilespmem:v0+s9+$0x80 ss:$0x1], $0xffff  }
0x1ec: {  	v9 =	vld [tilespmem:s9+$0x115D0]  }
0x1ed: {  	v10 =	vld [tilespmem:s9+$0x11400]  }
0x1ee: {  	v11 =	vld [tilespmem:s9+$0x11440]  }
0x1ef: {  	v12 =	vld [tilespmem:s9+$0x11480]  }
0x1f0: {  	v13 =	vld [tilespmem:s9+$0x114C0]  }
0x1f1: {  	v14 =	vld [tilespmem:s9+$0x11500]  }
0x1f2: {  	v56 =	vld [tilespmem:s9+$0x11490]  }
0x1f3: {  	v57 =	vld [tilespmem:s9+$0x114D0]  }
0x1f4: {  	v58 =	vld [tilespmem:s9+$0x11510]  }
0x1f5: {  	v60 =	vld [tilespmem:s9+$0x114E0];
	v1 =	vadd.f32 v1, v2  }
0x1f6: {  	v61 =	vld [tilespmem:s9+$0x11520]  }
0x1f7: {  	v3 =	vadd.f32 v3, v10;
	v10 =	vld [tilespmem:s9+$0x11580];
	[tilespmem:s9+$0x195C0] =	vst v1  }
0x1f8: {  	v1 =	vld.idx.msk [tilespmem:v0+s9+$0xD0 ss:$0x1], $0xffff  }
0x1f9: {  	v62 =	vld [tilespmem:s9+$0x11560];
	[tilespmem:s9+$0x19400] =	vst v3;
	v3 =	vadd.f32 v5, v12  }
0x1fa: {  	v15 =	vld [tilespmem:s9+$0x11430]  }
0x1fb: {  	v2 =	vld.idx.msk [tilespmem:v0+s9+$0x40 ss:$0x1], $0xffff;
	[tilespmem:s9+$0x19480] =	vst v3;
	v3 =	vadd.f32 v7, v14  }
0x1fc: {  	v5 =	vld [tilespmem:s9+$0x115E0]  }
0x1fd: {  	[tilespmem:s9+$0x19500] =	vst v3;
	v3 =	vadd.f32 v8, v10;
	v10 =	vld [tilespmem:s9+$0x115F0];
	v1 =	vadd.f32 v1, v9  }
0x1fe: {  	v9 =	vld [tilespmem:s9+$0x11540]  }
0x1ff: {  	[tilespmem:s9+$0x195D0] =	vst v1;
	v1 =	vadd.f32 v4, v11;
	v11 =	vld [tilespmem:s9+$0x11450]  }
0x200: {  	v4 =	vld.idx.msk [tilespmem:v0+s9+$0xE0 ss:$0x1], $0xffff  }
0x201: {  	[tilespmem:s9+$0x19440] =	vst v1;
	v1 =	vadd.f32 v6, v13;
	v6 =	vld.idx.msk [tilespmem:v0+s9+$0xFFFFFF10 ss:$0x1], $0xffff  }
0x202: {  	v7 =	vld.idx.msk [tilespmem:v0+s9+$0xFFFFFF50 ss:$0x1], $0xffff  }
0x203: {  	[tilespmem:s9+$0x194C0] =	vst v1;
	v1 =	vadd.f32 v2, v9;
	v2 =	vld.idx.msk [tilespmem:v0+s9+$0xFFFFFF90 ss:$0x1], $0xffff  }
0x204: {  	[tilespmem:s9+$0x19580] =	vst v3;
	v8 =	vld.idx.msk [tilespmem:v0+s9+$0xFFFFFFD0 ss:$0x1], $0xffff  }
0x205: {  	[tilespmem:s9+$0x19540] =	vst v1;
	v1 =	vld.idx.msk [tilespmem:v0+s9+$0x10 ss:$0x1], $0xffff;
	v4 =	vadd.f32 v4, v5  }
0x206: {  	v5 =	vld.idx.msk [tilespmem:v0+s9+$0x90 ss:$0x1], $0xffff  }
0x207: {  	[tilespmem:s9+$0x195E0] =	vst v4;
	v4 =	vld [tilespmem:s9+$0x11410]  }
0x208: {  	v7 =	vadd.f32 v7, v11;
	v11 =	vld [tilespmem:s9+$0x11590];
	v2 =	vadd.f32 v2, v56  }
0x209: {  	v3 =	vld.idx.msk [tilespmem:v0+s9+$0x50 ss:$0x1], $0xffff  }
0x20a: {  	v9 =	vld.idx.msk [tilespmem:v0+s9+$0xF0 ss:$0x1], $0xffff;
	[tilespmem:s9+$0x19490] =	vst v2  }
0x20b: {  	v1 =	vadd.f32 v1, v58;
	v2 =	vld.idx.msk [tilespmem:v0+s9+$0xFFFFFFA0 ss:$0x1], $0xffff  }
0x20c: {  	v4 =	vadd.f32 v6, v4;
	v6 =	vld [tilespmem:s9+$0x11550]  }
0x20d: {  	[tilespmem:s9+$0x19510] =	vst v1;
	v1 =	vadd.f32 v5, v11;
	v11 =	vld [tilespmem:s9+$0x114A0]  }
0x20e: {  	v5 =	vld.idx.msk [tilespmem:v0+s9+$0x20 ss:$0x1], $0xffff  }
0x20f: {  	[tilespmem:s9+$0x19410] =	vst v4;
	v4 =	vld [tilespmem:s9+$0x11420]  }
0x210: {  	[tilespmem:s9+$0x19450] =	vst v7;
	v7 =	vadd.f32 v8, v57;
	v59 =	vld.idx.msk [tilespmem:v0+s9+$0xFFFFFF20 ss:$0x1], $0xffff  }
0x211: {  	v8 =	vld.idx.msk [tilespmem:v0+s9+$0xFFFFFF60 ss:$0x1], $0xffff  }
0x212: {  	[tilespmem:s9+$0x194D0] =	vst v7;
	v7 =	vld [tilespmem:s9+$0x11460];
	v3 =	vadd.f32 v3, v6  }
0x213: {  	[tilespmem:s9+$0x19590] =	vst v1;
	v6 =	vld.idx.msk [tilespmem:v0+s9+$0xFFFFFFE0 ss:$0x1], $0xffff;
	v2 =	vadd.f32 v2, v11  }
0x214: {  	v1 =	vld.idx.msk [tilespmem:v0+s9+$0xA0 ss:$0x1], $0xffff;
	v11 =	vadd.f32 v5, v61;
	[tilespmem:s9+$0x19550] =	vst v3  }
0x215: {  	[tilespmem:s9+$0x194A0] =	vst v2;
	v3 =	vld.idx.msk [tilespmem:v0+s9+$0x60 ss:$0x1], $0xffff;
	v4 =	vadd.f32 v59, v4  }
0x216: {  	v2 =	vld.idx.msk [tilespmem:v0+s9+$0xFFFFFFB0 ss:$0x1], $0xffff;
	[tilespmem:s9+$0x19520] =	vst v11  }
0x217: {  	v11 =	vld [tilespmem:s9+$0x11470];
	[tilespmem:s9+$0x19420] =	vst v4;
	v4 =	vadd.f32 v8, v7  }
0x218: {  	v7 =	vld [tilespmem:s9+$0x115A0];
	v6 =	vadd.f32 v6, v60  }
0x219: {  	v8 =	vld.idx.msk [tilespmem:v0+s9+$0xFFFFFF30 ss:$0x1], $0xffff;
	[tilespmem:s9+$0x19460] =	vst v4  }
0x21a: {  	[tilespmem:s9+$0x194E0] =	vst v6;
	v6 =	vld.idx.msk [tilespmem:v0+s9+$0x30 ss:$0x1], $0xffff  }
0x21b: {  	v4 =	vld.idx.msk [tilespmem:v0+s9+$0xFFFFFF70 ss:$0x1], $0xffff  }
0x21c: {  	v3 =	vadd.f32 v3, v62;
	v5 =	vld.idx.msk [tilespmem:v0+s9+$0xFFFFFFF0 ss:$0x1], $0xffff  }
0x21d: {  	v1 =	vadd.f32 v1, v7;
	v7 =	vadd.f32 v9, v10;
	v10 =	vld [tilespmem:s9+$0x114B0]  }
0x21e: {  	[tilespmem:s9+$0x19560] =	vst v3;
	v9 =	vld [tilespmem:s9+$0x114F0]  }
0x21f: {  	v3 =	vld.idx.msk [tilespmem:v0+s9+$0x70 ss:$0x1], $0xffff  }
0x220: {  	v63 =	vadd.f32 v8, v15;
	v8 =	vld [tilespmem:s9+$0x11530];
	[tilespmem:s9+$0x195A0] =	vst v1  }
0x221: {  	[tilespmem:s9+$0x195F0] =	vst v7;
	v7 =	vld [tilespmem:s9+$0x11570]  }
0x222: {  	s5 =	sadd.s32 s2, s5;
	s10 =	simm.s32 $0x800;
	s1 =	simm.s32 $0x0;
	v1 =	vld.idx.msk [tilespmem:v0+s9+$0xB0 ss:$0x1], $0xffff;
	[tilespmem:s9+$0x19430] =	vst v63  }
.LBB2_9:
0x223: {  	s17 =	sshra.s32 s10, $0x2;
	s1 =	sadd.s32 $0x8, s1;
	v4 =	vadd.f32 v4, v11;
	v11 =	vld [tilespmem:s9+$0x115B0]  }
0x224: {  	v12 =	vld.idx.msk [tilespmem:v0+s17+$0xC0 ss:$0x1], $0xffff;
	p0 =	slt.u32 s1, $0x78;
	v2 =	vadd.f32 v2, v10  }
0x225: {  	v10 =	vld [tilespmem:s17+$0x115C0];
	[tilespmem:s9+$0x19470] =	vst v4;
	v4 =	vadd.f32 v5, v9  }
0x226: {  	v5 =	vld.idx.msk [tilespmem:v0+s17+$0xFFFFFF00 ss:$0x1], $0xffff;
	[tilespmem:s9+$0x194B0] =	vst v2;
	v2 =	vadd.f32 v6, v8  }
0x227: {  	v6 =	vld.idx.msk [tilespmem:v0+s17+$0xFFFFFF40 ss:$0x1], $0xffff;
	[tilespmem:s9+$0x194F0] =	vst v4;
	v3 =	vadd.f32 v3, v7  }
0x228: {  	v4 =	vld.idx.msk [tilespmem:v0+s17+$0xFFFFFF80 ss:$0x1], $0xffff;
	[tilespmem:s9+$0x19530] =	vst v2;
	v1 =	vadd.f32 v1, v11  }
0x229: {  	v2 =	vld.idx.msk [tilespmem:v0+s17+$0xFFFFFFC0 ss:$0x1], $0xffff;
	[tilespmem:s9+$0x19570] =	vst v3  }
0x22a: {  	v3 =	vld.idx.msk [tilespmem:v0+s17+$0x0 ss:$0x1], $0xffff;
	v7 =	vadd.f32 v12, v10;
	[tilespmem:s9+$0x195B0] =	vst v1;
	s9 =	smov.u32 s17  }
0x22b: {  	v1 =	vld.idx.msk [tilespmem:v0+s9+$0x40 ss:$0x1], $0xffff  }
0x22c: {  	v8 =	vld.idx.msk [tilespmem:v0+s9+$0x80 ss:$0x1], $0xffff;
	[tilespmem:s9+$0x195C0] =	vst v7  }
0x22d: {  	v7 =	vld.idx.msk [tilespmem:v0+s9+$0xD0 ss:$0x1], $0xffff  }
0x22e: {  	v9 =	vld [tilespmem:s9+$0x115D0]  }
0x22f: {  	v10 =	vld [tilespmem:s9+$0x11400]  }
0x230: {  	v11 =	vld [tilespmem:s9+$0x11440]  }
0x231: {  	v12 =	vld [tilespmem:s9+$0x11480]  }
0x232: {  	v13 =	vld [tilespmem:s9+$0x114C0]  }
0x233: {  	v14 =	vld [tilespmem:s9+$0x11500];
	v7 =	vadd.f32 v7, v9  }
0x234: {  	v5 =	vadd.f32 v5, v10;
	v9 =	vld [tilespmem:s9+$0x11540]  }
0x235: {  	v6 =	vadd.f32 v6, v11;
	v10 =	vld [tilespmem:s9+$0x11580];
	[tilespmem:s9+$0x195D0] =	vst v7  }
0x236: {  	[tilespmem:s9+$0x19400] =	vst v5;
	v4 =	vadd.f32 v4, v12;
	v5 =	vld.idx.msk [tilespmem:v0+s9+$0xE0 ss:$0x1], $0xffff  }
0x237: {  	[tilespmem:s9+$0x19440] =	vst v6;
	v2 =	vadd.f32 v2, v13;
	v6 =	vld [tilespmem:s9+$0x115E0]  }
0x238: {  	v7 =	vld.idx.msk [tilespmem:v0+s9+$0xFFFFFF10 ss:$0x1], $0xffff;
	[tilespmem:s9+$0x19480] =	vst v4;
	v3 =	vadd.f32 v3, v14  }
0x239: {  	v4 =	vld.idx.msk [tilespmem:v0+s9+$0xFFFFFF50 ss:$0x1], $0xffff;
	[tilespmem:s9+$0x194C0] =	vst v2;
	v1 =	vadd.f32 v1, v9  }
0x23a: {  	v2 =	vld.idx.msk [tilespmem:v0+s9+$0xFFFFFF90 ss:$0x1], $0xffff;
	[tilespmem:s9+$0x19500] =	vst v3;
	v3 =	vadd.f32 v8, v10  }
0x23b: {  	v8 =	vld.idx.msk [tilespmem:v0+s9+$0xFFFFFFD0 ss:$0x1], $0xffff;
	[tilespmem:s9+$0x19540] =	vst v1  }
0x23c: {  	v1 =	vld.idx.msk [tilespmem:v0+s9+$0x10 ss:$0x1], $0xffff;
	[tilespmem:s9+$0x19580] =	vst v3;
	v3 =	vadd.f32 v5, v6  }
0x23d: {  	v5 =	vld.idx.msk [tilespmem:v0+s9+$0x50 ss:$0x1], $0xffff  }
0x23e: {  	v6 =	vld.idx.msk [tilespmem:v0+s9+$0x90 ss:$0x1], $0xffff;
	[tilespmem:s9+$0x195E0] =	vst v3  }
0x23f: {  	v3 =	vld.idx.msk [tilespmem:v0+s9+$0xF0 ss:$0x1], $0xffff  }
0x240: {  	v9 =	vld [tilespmem:s9+$0x115F0]  }
0x241: {  	v10 =	vld [tilespmem:s9+$0x11410]  }
0x242: {  	v11 =	vld [tilespmem:s9+$0x11450]  }
0x243: {  	v12 =	vld [tilespmem:s9+$0x11490]  }
0x244: {  	v13 =	vld [tilespmem:s9+$0x114D0]  }
0x245: {  	v14 =	vld [tilespmem:s9+$0x11510];
	v3 =	vadd.f32 v3, v9  }
0x246: {  	v7 =	vadd.f32 v7, v10;
	v9 =	vld [tilespmem:s9+$0x11550]  }
0x247: {  	v4 =	vadd.f32 v4, v11;
	v10 =	vld [tilespmem:s9+$0x11590];
	[tilespmem:s9+$0x195F0] =	vst v3  }
0x248: {  	[tilespmem:s9+$0x19410] =	vst v7;
	v3 =	vld [tilespmem:s9+$0x11420];
	v2 =	vadd.f32 v2, v12  }
0x249: {  	v7 =	vld.idx.msk [tilespmem:v0+s9+$0xFFFFFF20 ss:$0x1], $0xffff;
	[tilespmem:s9+$0x19450] =	vst v4;
	v4 =	vadd.f32 v8, v13  }
0x24a: {  	v8 =	vld.idx.msk [tilespmem:v0+s9+$0xFFFFFF60 ss:$0x1], $0xffff;
	[tilespmem:s9+$0x19490] =	vst v2;
	v1 =	vadd.f32 v1, v14  }
0x24b: {  	v2 =	vld.idx.msk [tilespmem:v0+s9+$0xFFFFFFA0 ss:$0x1], $0xffff;
	[tilespmem:s9+$0x194D0] =	vst v4;
	v4 =	vadd.f32 v5, v9  }
0x24c: {  	v5 =	vld.idx.msk [tilespmem:v0+s9+$0xFFFFFFE0 ss:$0x1], $0xffff;
	[tilespmem:s9+$0x19510] =	vst v1;
	v1 =	vadd.f32 v6, v10  }
0x24d: {  	v6 =	vld.idx.msk [tilespmem:v0+s9+$0x20 ss:$0x1], $0xffff;
	[tilespmem:s9+$0x19550] =	vst v4  }
0x24e: {  	v9 =	vld.idx.msk [tilespmem:v0+s9+$0x60 ss:$0x1], $0xffff;
	[tilespmem:s9+$0x19590] =	vst v1  }
0x24f: {  	v1 =	vadd.f32 v7, v3;
	v3 =	vld.idx.msk [tilespmem:v0+s9+$0xA0 ss:$0x1], $0xffff  }
0x250: {  	v4 =	vld [tilespmem:s9+$0x11460]  }
0x251: {  	[tilespmem:s9+$0x19420] =	vst v1;
	v1 =	vld [tilespmem:s9+$0x114A0]  }
0x252: {  	v7 =	vld [tilespmem:s9+$0x114E0]  }
0x253: {  	v10 =	vld [tilespmem:s9+$0x11520]  }
0x254: {  	v11 =	vld [tilespmem:s9+$0x11560]  }
0x255: {  	v4 =	vadd.f32 v8, v4;
	v8 =	vld [tilespmem:s9+$0x115A0]  }
0x256: {  	v12 =	vld.idx.msk [tilespmem:v0+s9+$0xFFFFFF30 ss:$0x1], $0xffff;
	v1 =	vadd.f32 v2, v1  }
0x257: {  	v13 =	vld [tilespmem:s9+$0x11430];
	[tilespmem:s9+$0x19460] =	vst v4;
	v5 =	vadd.f32 v5, v7  }
0x258: {  	v4 =	vld.idx.msk [tilespmem:v0+s9+$0xFFFFFF70 ss:$0x1], $0xffff;
	[tilespmem:s9+$0x194A0] =	vst v1;
	v1 =	vadd.f32 v6, v10  }
0x259: {  	v2 =	vld.idx.msk [tilespmem:v0+s9+$0xFFFFFFB0 ss:$0x1], $0xffff;
	[tilespmem:s9+$0x194E0] =	vst v5;
	v7 =	vadd.f32 v9, v11  }
0x25a: {  	v5 =	vld.idx.msk [tilespmem:v0+s9+$0xFFFFFFF0 ss:$0x1], $0xffff;
	[tilespmem:s9+$0x19520] =	vst v1;
	v1 =	vadd.f32 v3, v8  }
0x25b: {  	v6 =	vld.idx.msk [tilespmem:v0+s9+$0x30 ss:$0x1], $0xffff;
	[tilespmem:s9+$0x19560] =	vst v7  }
0x25c: {  	v7 =	vadd.f32 v12, v13;
	v3 =	vld.idx.msk [tilespmem:v0+s9+$0x70 ss:$0x1], $0xffff;
	[tilespmem:s9+$0x195A0] =	vst v1  }
0x25d: {  	v1 =	vld.idx.msk [tilespmem:v0+s9+$0xB0 ss:$0x1], $0xffff  }
.Ltmp3:
0x25e: {  	[tilespmem:s9+$0x19430] =	vst v7;
	v11 =	vld [tilespmem:s9+$0x11470];
	(pc) =	sbr.rel @p0 .LBB2_9-.Ltmp3, $4  }
0x25f: {  	v10 =	vld [tilespmem:s9+$0x114B0]  }
0x260: {  	v9 =	vld [tilespmem:s9+$0x114F0]  }
0x261: {  	v8 =	vld [tilespmem:s9+$0x11530]  }
0x262: {  	s10 =	sadd.s32 $0x800, s10;
	v7 =	vld [tilespmem:s9+$0x11570]  }
0x263: {  	s1 =	sadd.s32 $0x6, s8  }
0x264: {  	v0 =	vadd.f32 v4, v11;
	v60 =	vld [tilespmem:s9+$0x115B0];
	s8 =	smulhi.u32 $0x51EB851F, s1  }
0x265: {  	v2 =	vadd.f32 v2, v10  }
0x266: {  	[tilespmem:s9+$0x19470] =	vst v0;
	v61 =	vadd.f32 v5, v9;
	s8 =	sshrl.u32 s8, $0x6  }
0x267: {  	[tilespmem:s9+$0x194B0] =	vst v2;
	v62 =	vadd.f32 v6, v8;
	s8 =	smul.u32 $0xC8, s8  }
0x268: {  	s28 =	sshll.u32 s5, $0xB;
	s30 =	simm.s32 $0x19400;
	s7 =	sadd.s32 $0x1, s7;
	[tilespmem:s9+$0x194F0] =	vst v61;
	v63 =	vadd.f32 v3, v7  }
0x269: {  	s19 =	sadd.s32 $0x8000, s19;
	s3 =	sadd.s32 $0x200, s3;
	[tilespmem:s9+$0x19530] =	vst v62;
	v1 =	vadd.f32 v1, v60;
	s1 =	ssub.s32 s1, s8  }
0x26a: {  	s11 =	sadd.s32 $0x8000, s11;
	p0 =	sne.s32 s7, $0x32;
	[tilespmem:s9+$0x19570] =	vst v63;
	s1 =	sshll.u32 s1, $0x7  }
.Ltmp4:
0x26b: {  	s12 =	sadd.s32 $0x200, s12;
	[tilespmem:s9+$0x195B0] =	vst v1;
	s1 =	sadd.s32 $0x5000, s1;
	(pc) =	sbr.rel @p0 .LBB2_2-.Ltmp4, $4  }
0x26c: {  	[tilespmem:s25], [sflag:$0x3] =	stream.indirect.gather [hbm4b:s4+s20], $0x40, s1, s20, $0xb8;
	[tilespmem:$0x1B400] =	vst v63  }
0x26d: {  	s13 =	sadd.s32 $0x8000, s13;
	s14 =	sadd.s32 $0x200, s14;
	s1 =	sand.u32 $0x1FFFF800, s28  }
0x26e: {  	s15 =	sadd.s32 $0x8000, s15;
	s16 =	sadd.s32 $0x200, s16;
	s1 =	sadd.s32 s6, s1  }
0x26f: {  	[hbm4b:s1+s29] =	stream.strided.scatter [tilespmem:s30], [sflag:$0x8], $0x2000, s20, s29, $0x38;
	[tilespmem:$0x1B400] =	vst v63  }
0x270: {  	s1 =	simm.s32 $0x5  }
0x271: {  	_ =	swait.ge [sflag:s1], $0x2000  }
0x272: {  	[sflag:s1] =	ssyncset.done $0x0  }
0x273: {  	s19 =	simm.s32 $0x6;
	[sflag:s1] =	ssyncadd.s32 $0xFFFFE000  }
0x274: {  	_ =	swait.ge [sflag:s19], $0x2000  }
0x275: {  	[sflag:s19] =	ssyncset.done $0x0  }
0x276: {  	s24 =	simm.s32 $0x7;
	[sflag:s19] =	ssyncadd.s32 $0xFFFFE000  }
0x277: {  	_ =	swait.ge [sflag:s24], $0x2000  }
0x278: {  	[sflag:s24] =	ssyncset.done $0x0  }
0x279: {  	s28 =	simm.s32 $0x8;
	[sflag:s24] =	ssyncadd.s32 $0xFFFFE000  }
0x27a: {  	_ =	swait.ge [sflag:s28], $0x2000  }
0x27b: {  	[sflag:s28] =	ssyncset.done $0x0  }
0x27c: {  	[sflag:s28] =	ssyncadd.s32 $0xFFFFE000  }
0x27d: {  	_ =	swait.ge [sflag:s26], $0x2000  }
0x27e: {  	[sflag:s26] =	ssyncset.done $0x0  }
0x27f: {  	[sflag:s26] =	ssyncadd.s32 $0xFFFFE000  }
0x280: {  	_ =	swait.ge [sflag:s31], $0x2000  }
0x281: {  	[sflag:s31] =	ssyncset.done $0x0  }
0x282: {  	[sflag:s31] =	ssyncadd.s32 $0xFFFFE000  }
0x283: {  	_ =	swait.ge [sflag:s0], $0x2000  }
0x284: {  	s3 =	rddreg [dreg:$0xe]  }
0x285: {  	s30 =	rddreg [dreg:$0x5];
	s3 =	sadd.s32 $0x1, s3  }
0x286: {  	p0 =	sne.s32 s3, s30  }
.Ltmp5:
0x287: {  	_ = 	snop;
	(pc) =	sbr.rel @p0 .LBB2_1-.Ltmp5, $3  }
0x288: {  	_ =	sdelay $0x1  }
0x289: {  	[sflag:s0] =	ssyncset.done $0x0  }
0x28a: {  	[sflag:s0] =	ssyncadd.s32 $0xFFFFE000  }
0x28b: {  	_ =	sfence.sel $0x180000  }
0x28c: {  	[bflag:$0x0] =	sbarrier.arrive $0xFFFF  }
0x28d: {  	_ =	strace $0x90000047  }
0x28e: {  	s0 =	stileid.u32;
	[bflag:$0x2] =	sbarrier.arrive $0xFFFF  }
0x28f: {  	p0 =	sne.s32 s0, $0x0;
	s0 =	rddreg [dreg:$0x2]  }
0x290: {  	s0 =	sadd.s32 @!p0 $0x100000, s0  }
0x291: {  	[sflag:s0] =	ssyncadd.tile.s32 @!p0 $0x1;
	_ =	shalt  }
.Lfunc_end2:
_tile_overlayer_lowered:
.L_overlay_start_2:
0x292: {  	(tag) =	ssettag $0x2  }
0x293: {  	s0 =	rddreg [dreg:$0x0];
	s2 =	stileid.u32  }
0x294: {  	s1 =	rddreg [dreg:$0x1];
	p0 =	sne.s32 s2, $0x0  }
0x295: {  	s3 =	rddreg [dreg:$0x2];
	[bflag:$0x3] =	sbarrier.arrive $0xFFFF;
	s2 =	simm.s32 @!p0 $0x1C09  }
0x296: {  	[timem:s3], [sflag:s2] =	dma.local @!p0 [hbm:s0], s1  }
0x297: {  	s0 =	simm.s32 @!p0 $0x9  }
0x298: {  	_ =	swait.ge @!p0 [sflag:s0], s1  }
0x299: {  	s1 =	ssub.s32 @!p0 $0x0, s1;
	[sflag:s0] =	ssyncset.done @!p0 $0x0  }
0x29a: {  	[sflag:s0] =	ssyncadd.s32 @!p0 s1  }
0x29b: {  	[bflag:$0x3] =	sbarrier.arrive $0xFFFF  }
0x29c: {  	_ =	shalt  }

// kernel: sparse-core-data-format-call.cloned.1.call-start
scs
called_computation_lowered:
.L_overlay_start_0:
0x0: {  	s2 =	sld [smem:$0x3FD9]  }
0x1: {  	s3 =	sld [smem:$0x3FFE];
	_ =	sdelay $0x1  }
0x2: {  	s1 =	srdreg.scid  }
0x3: {  	s0 =	sand.u32 $0x1, s1  }
0x4: {  	s18 =	sshll.u32 s0, $0xA;
	s2 =	sadd.s32 s3, s2  }
0x5: {  	s2 =	sadd.s32 s2, s18  }
0x6: {  	[smem:$0x3FC5] =	sst s2  }
0x7: {  	_ = 	snop  }
0x8: {  	s2 =	sld [smem:$0x3FD0];
	(tm) =	ssettm $0x1  }
0x9: {  	s19 =	sld [smem:$0x3FFB];
	_ =	sdelay $0x3  }
0xa: {  	_ =	strace s19  }
0xb: {  	s3 =	sld [smem:$0x3FFC];
	_ =	sdelay $0x3  }
0xc: {  	_ =	strace s3  }
0xd: {  	s3 =	sld [smem:$0x3FFD];
	_ =	sdelay $0x3  }
0xe: {  	_ =	strace s3  }
0xf: {  	_ =	strace $0x8FFFFFFF  }
0x10: {  	s20 =	sld [smem:$0x3FDB];
	_ =	sdelay $0x1  }
0x11: {  	s4 =	simm.s32 $_scs_section_size  }
0x12: {  	s5 =	simm.s32 $_size__tile_overlayer_lowered;
	s6 =	simm.s32 $_tile_overlayer_lowered  }
0x13: {  	s23 =	simm.s32 $0x1BFF;
	s22 =	sshll.u32 s6, $0x1;
	s3 =	sadd.s32 s4, s20  }
0x14: {  	s7 =	simm.s32 $0x0;
	s21 =	sshll.u32 s5, $0x1;
	s5 =	sadd.s32 s22, s3  }
0x15: {  	[timem:s7], [sflag:s23] =	dma.local [hbm:s5], s21  }
0x16: {  	_ =	swait.ge [sflag:s23], s21  }
0x17: {  	s4 =	ssub.s32 $0x0, s21;
	[sflag:s23] =	ssyncset.done $0x0  }
0x18: {  	[sflag:s23] =	ssyncadd.s32 s4;
	_ =	sdelay $0x1  }
0x19: {  	s24 =	simm.s32 $0x1B8B  }
0x1a: {  	_ =	swait.ge [sflag:s24], $0x1  }
0x1b: {  	[sflag:s24] =	ssyncset.done $0x0  }
0x1c: {  	s26 =	simm.s32 $0x1B8E;
	s25 =	sld [smem:$0x3FFE];
	[sflag:s24] =	ssyncadd.s32 $0xFFFFFFFF  }
0x1d: {  	s27 =	simm.s32 $execute0_lowered;
	[smem:$0x3FD2] =	sst s26  }
0x1e: {  	s5 =	sshll.u32 s27, $0x1;
	_ =	strace $0x80000049;
	[dreg:$0x1] =	wrdreg $0xFFFFFFFF  }
0x1f: {  	s28 =	simm.s32 $_size_execute0_lowered;
	s3 =	sadd.s32 s3, s5;
	[dreg:$0x0] =	wrdreg $0x0  }
0x20: {  	s5 =	sshll.u32 s28, $0x1;
	[dreg:$0x2] =	wrdreg s3  }
0x21: {  	[dreg:$0x3] =	wrdreg s5  }
0x22: {  	[dreg:$0x4] =	wrdreg $0xC0  }
0x23: {  	_ =	task [dreg:s7], $0x5FFFF  }
0x24: {  	[dreg:$0x1] =	wrdreg $0xFFFFFFFF  }
0x25: {  	[dreg:$0x0] =	wrdreg $0x60  }
0x26: {  	[dreg:$0x2] =	wrdreg s25  }
0x27: {  	[dreg:$0x3] =	wrdreg s2  }
0x28: {  	[dreg:$0x4] =	wrdreg $0x9  }
0x29: {  	_ =	task.clear_ibuf [dreg:s7], $0x5FFFF;
	_ =	strace $0x90000049  }
0x2a: {  	s29 =	simm.s32 $0x9;
	_ =	strace $0x8000004B  }
0x2b: {  	_ =	swait.ge [sflag:s29], $0x1  }
0x2c: {  	[sflag:s29] =	ssyncadd.s32 $0xFFFFFFFF  }
0x2d: {  	_ =	strace $0x9000004B  }
0x2e: {  	_ =	sfence  }
0x2f: {  	s30 =	sld [smem:$0x0];
	_ =	sdelay $0x2  }
0x30: {  	s31 =	sshll.u32 s1, $0xD;
	s1 =	sshrl.u32 s1, $0x2  }
0x31: {  	s3 =	sand.u32 $0x4000, s31;
	s1 =	sadd.s32 s1, s30  }
0x32: {  	s0 =	sor.u32 s3, s0;
	s1 =	sshll.u32 s1, $0x11  }
0x33: {  	s0 =	sor.u32 s1, s0  }
0x34: {  	s0 =	sadd.s32 $0x8F2B, s0  }
0x35: {  	[sflag:s0] =	ssyncadd.remote.s32 $0x1  }
0x36: {  	_ =	sfence.sel $0xFFFF  }
0x37: {  	[dreg:$0x0] =	wrdreg $0xFFFFFFFF;
	(pc) =	sbr.abs _section_cstart, $3  }
0x38: {  	[dreg:$0x1] =	wrdreg $0xFFFFFFFF  }
0x39: {  	_ =	task.clear_ibuf [dreg:s7], $0x2FFFF;
	_ =	strace $0x9FFFFFFF  }
0x3a: {  	(tm) =	ssettm $0x7FFFFFFF  }
0x3b: {  	_ =	shalt  }
tec
execute0_lowered:
.L_overlay_start_1:
0x0: {  	(tag) =	ssettag $0x1  }
0x1: {  	s0 =	srdreg.scid  }
0x2: {  	s1 =	sshll.u32 s0, $0x4  }
0x3: {  	s0 =	stileid.u32;
	s1 =	sand.u32 $0x10, s1  }
0x4: {  	s1 =	sor.u32 s0, s1  }
0x5: {  	s6 =	rddreg [dreg:$0x0];
	s4 =	simm.s32 $0x1;
	s2 =	sshll.u32 s1, $0x7  }
0x6: {  	s7 =	simm.s32 $0x2;
	s12 =	simm.s32 $0x0;
	s1 =	ssub.s32 $0x1000, s2  }
0x7: {  	s8 =	simm.s32 $0x8000;
	s13 =	simm.s32 $0x0;
	s3 =	sand.u32 $0xF80, s1  }
0x8: {  	s9 =	simm.s32 $0x0;
	s5 =	sshrl.u32 s1, $0xC;
	p0 =	sne.s32 s3, $0x0  }
.Ltmp0:
0x9: {  	s1 =	rddreg [dreg:$0x2];
	s4 =	simm.s32 @!p0 $0x0;
	(pc) =	sbr.rel .LBB1_1-.Ltmp0, $4  }
0xa: {  	s11 =	simm.s32 $0x0;
	s3 =	rddreg [dreg:$0x1];
	s5 =	sadd.s32 s4, s5  }
0xb: {  	_ =	strace $0x8000004A;
	s4 =	simm.s32 $0x1;
	s5 =	smul.u32 $0xC8, s5  }
0xc: {  	s6 =	sadd.s32 $0xC4600, s6;
	s10 =	smov.u32 s2;
	[sflag:s4] =	ssyncpa.u1 $0x0  }
0xd: {  	p0 =	por $0x0, $0x0;
	[sflag:s7] =	ssyncpa.u1 $0x0;
	s7 =	sor.u32 $0x1, s5  }
.LBB1_4:
0xe: {  	s16 =	sshll.u32 s13, $0x3;
	s17 =	sand.u32 $0x78, s13  }
0xf: {  	s30 =	sand.u32 $0x7E00, s13;
	s12 =	sshll.u32 s12, $0xF;
	s16 =	sand.u32 $0xC00, s16  }
0x10: {  	[tilespmem:s15+$0x810 ss:$0x81] =	vst.msk $0xffff, v2;
	s31 =	sand.u32 $0x7, s13;
	s16 =	sor.u32 s17, s16;
	s17 =	sadd.s32 s3, s30  }
0x11: {  	[tilespmem:s15+$0x1020 ss:$0x81] =	vst.msk $0xffff, v0;
	s13 =	sshll.u32 s31, $0x12;
	s12 =	sadd.s32 s12, s17;
	s16 =	sshrl.u32 s16, $0x3  }
0x12: {  	[tilespmem:s15+$0x0 ss:$0x81] =	vst.msk $0xffff, v1;
	s13 =	sor.u32 $0x400, s13;
	s12 =	sadd.s32 s16, s12  }
0x13: {  	[hbm4b:s12+s13] =	stream.strided.scatter [tilespmem:s14], [sflag:$0x2], $0x2000, s8, s13, $0x20;
	[tilespmem:$0x8080] =	vst v63  }
.LBB1_5:
0x14: {  	s14 =	sadd.s32 $0x1, s9  }
0x15: {  	s12 =	sadd.s32 $0x1000, s10;
	s16 =	smov.u32 s10;
	p2 =	sgt.s32 s14, $0xC7  }
0x16: {  	s16 =	smov.u32 @p2 s12  }
0x17: {  	s14 =	simm.s32 @p2 $0x0;
	p2 =	sgt.s32 s16, $0xFFF  }
0x18: {  	s16 =	smov.u32 @p2 s2;
	p2 =	sne.s32 s11, s7  }
.Ltmp1:
0x19: {  	p1 =	slt.u32 s11, $0x2;
	(pc) =	sbr.rel @!p2 .LBB1_6-.Ltmp1, $4  }
0x1a: {  	s15 =	simm.s32 @!p1 $0x2  }
0x1b: {  	s13 =	smov.u32 s10;
	p0 =	por !p0, !p0;
	_ =	swait.ge @!p1 [sflag:s15], $0x2000  }
0x1c: {  	s12 =	smov.u32 s9;
	[sflag:s15] =	ssyncset.done @!p1 $0x0;
	s9 =	smov.u32 s14  }
0x1d: {  	s11 =	sadd.s32 $0x1, s11;
	[sflag:s15] =	ssyncadd.s32 @!p1 $0xFFFFE000;
	s10 =	smov.u32 s16  }
.LBB1_1:
0x1e: {  	p1 =	sge.u32 s11, s5  }
0x1f: {  	s14 =	sand.u32 @!p1 $0x1FFFFFF, s9  }
0x20: {  	s15 =	smulhi.u32 @!p1 $0x147AE15, s14;
	_ =	sdelay $0x1  }
0x21: {  	s15 =	smul.u32 @!p1 $0xC8, s15  }
0x22: {  	s16 =	sxor.u32 @!p1 $0xFFFFFFFF, s11;
	s17 =	smul.u32 @!p1 $0xC80, s10  }
0x23: {  	s31 =	sadd.s32 $0xFFFFFFFF, s11;
	s16 =	sshll.u32 @!p1 s16, $0xD;
	s14 =	ssub.s32 @!p1 s14, s15  }
0x24: {  	s15 =	sand.u32 @!p1 $0x2000, s16;
	s16 =	sadd.s32 @!p1 s6, s17;
	s14 =	sshll.u32 @!p1 s14, $0x4  }
0x25: {  	s17 =	simm.s32 @!p1 $0x6400;
	s14 =	sadd.s32 @!p1 s14, s16;
	s16 =	simm.s32 @!p1 $0x40  }
0x26: {  	[tilespmem:s15], [sflag:$0x1] =	stream.strided.gather @!p1 [hbm4b:s14+s16], $0x2000, s17, s16, $0x38;
	[tilespmem:$0x8080] =	vst v63  }
0x27: {  	p1 =	sge.u32 s31, s5  }
.Ltmp2:
0x28: {  	_ = 	snop;
	(pc) =	sbr.rel @p1 .LBB1_5-.Ltmp2, $1  }
0x29: {  	_ =	sdelay $0x3  }
0x2a: {  	s14 =	simm.s32 $0x1  }
0x2b: {  	_ =	swait.ge [sflag:s4], $0x2000;
	s14 =	simm.s32 @!p0 $0x0  }
0x2c: {  	[sflag:s4] =	ssyncset.done $0x0;
	s15 =	sshll.u32 s14, $0xD  }
0x2d: {  	[sflag:s4] =	ssyncadd.s32 $0xFFFFE000;
	s18 =	sor.u32 $0x20, s15  }
0x2e: {  	s14 =	smul.u32 $0x8100, s14;
	v3 =	vld [tilespmem:s18+$0x10]  }
0x2f: {  	s30 =	sand.u32 $0x1, s11;
	v2 =	vld [tilespmem:s18+$0xFFFFFFF0]  }
0x30: {  	s15 =	smul.u32 $0x8100, s30;
	s14 =	sshrl.u32 s14, $0x2;
	v0 =	vld [tilespmem:s18+$0x0]  }
0x31: {  	v1 =	vld [tilespmem:s18+$0xFFFFFFE0];
	s16 =	sor.u32 $0x4000, s14  }
0x32: {  	s31 =	sshrl.u32 s15, $0x2;
	s15 =	sadd.s32 $0x0, s16  }
0x33: {  	s17 =	simm.s32 $0x4;
	s18 =	sadd.s32 $0x40, s18;
	s14 =	sor.u32 $0x4000, s31;
	[tilespmem:s15+$0x1830 ss:$0x81] =	vst.msk $0xffff, v3  }
.LBB1_3:
0x34: {  	v3 =	vld [tilespmem:s18+$0x10];
	p1 =	sne.s32 s17, $0x1FC;
	[tilespmem:s15+$0x810 ss:$0x81] =	vst.msk $0xffff, v2;
	s19 =	smov.u32 s17;
	s17 =	sadd.s32 $0x4, s17  }
.Ltmp3:
0x35: {  	v2 =	vld [tilespmem:s18+$0xFFFFFFF0];
	[tilespmem:s15+$0x1020 ss:$0x81] =	vst.msk $0xffff, v0;
	(pc) =	sbr.rel @p1 .LBB1_3-.Ltmp3, $4  }
0x36: {  	v0 =	vld [tilespmem:s18+$0x0];
	[tilespmem:s15+$0x0 ss:$0x81] =	vst.msk $0xffff, v1  }
0x37: {  	s15 =	sshra.s32 s19, $0x2;
	v1 =	vld [tilespmem:s18+$0xFFFFFFE0]  }
0x38: {  	s15 =	sadd.s32 s15, s16  }
0x39: {  	s18 =	sadd.s32 $0x40, s18;
	[tilespmem:s15+$0x1830 ss:$0x81] =	vst.msk $0xffff, v3  }
.Ltmp4:
0x3a: {  	_ = 	snop;
	(pc) =	sbr.rel .LBB1_4-.Ltmp4, $1  }
0x3b: {  	_ =	sdelay $0x3  }
.LBB1_6:
0x3c: {  	_ =	sfence.sel $0x180000  }
0x3d: {  	s2 =	simm.s32 $0x1;
	[bflag:$0x0] =	sbarrier.arrive $0xFFFF  }
0x3e: {  	s31 =	simm.s32 $0x2;
	[sflag:s2] =	ssyncpa.u1 $0x1  }
0x3f: {  	[sflag:s31] =	ssyncpa.u1 $0x1  }
0x40: {  	p0 =	sne.s32 s0, $0x0;
	_ =	strace $0x9000004A  }
0x41: {  	s0 =	sadd.s32 @!p0 $0x100000, s1;
	[bflag:$0x2] =	sbarrier.arrive $0xFFFF  }
0x42: {  	[sflag:s0] =	ssyncadd.tile.s32 @!p0 $0x1;
	_ =	shalt  }
.Lfunc_end1:
_tile_overlayer_lowered:
.L_overlay_start_2:
0x43: {  	(tag) =	ssettag $0x2  }
0x44: {  	s0 =	rddreg [dreg:$0x0];
	s2 =	stileid.u32  }
0x45: {  	s1 =	rddreg [dreg:$0x1];
	p0 =	sne.s32 s2, $0x0  }
0x46: {  	s3 =	rddreg [dreg:$0x2];
	[bflag:$0x3] =	sbarrier.arrive $0xFFFF;
	s2 =	simm.s32 @!p0 $0x1C01  }
0x47: {  	[timem:s3], [sflag:s2] =	dma.local @!p0 [hbm:s0], s1  }
0x48: {  	s0 =	simm.s32 @!p0 $0x1  }
0x49: {  	_ =	swait.ge @!p0 [sflag:s0], s1  }
0x4a: {  	s1 =	ssub.s32 @!p0 $0x0, s1;
	[sflag:s0] =	ssyncset.done @!p0 $0x0  }
0x4b: {  	[sflag:s0] =	ssyncadd.s32 @!p0 s1  }
0x4c: {  	[bflag:$0x3] =	sbarrier.arrive $0xFFFF  }
0x4d: {  	_ =	shalt  }

</sc_bundles>
